<compile_context>
chip_gen: v7x
topology: tpu7x:2x2x1
jax: 0.10.2.dev20260603
libtpu: 0.0.44.dev20260713+nightly
codegen_flags: <defaults>
</compile_context>

<pallas_src>
import jax
import jax.numpy as jnp
from jax import lax
from jax.experimental import pallas as pl
from jax.experimental.pallas import tpu as pltpu

_THRESHOLD = 0.35
_NEG_POS_RATIO = 7
_VAR0, _VAR1 = 0.1, 0.2
_BISECT_ITERS = 16
_M = 12


def _smooth_l1(x, y):
    d = x - y
    a = jnp.abs(d)
    return jnp.where(a < 1.0, 0.5 * d * d, a - 0.5)


def _detile(xT, k):
    rows = []
    for c in range(k):
        rows.append(jnp.concatenate(
            [xT[k * s + c:k * s + c + 1, :] for s in range(_M)], axis=1))
    return jnp.concatenate(rows, axis=0)


def _row_body(logits_ref, boxes_ref, landm_ref, priors_ref, oidx_ref,
              tgt_ref, tgtT_ref, lc_ref, stats_ref,
              pce_ref, box_ref, lm_ref, np_ref, acc):
    b = pl.program_id(0)

    @pl.when(b == 0)
    def _init():
        acc[0] = 0.0
        acc[1] = 0.0
        acc[2] = 0.0
        acc[3] = 0.0

    for _r in range(tgt_ref.shape[0]):
        _one_row(_r, logits_ref, boxes_ref, landm_ref, priors_ref, oidx_ref,
                 tgt_ref, tgtT_ref, lc_ref, stats_ref, acc)

    pce_ref[0, 0] = acc[0]
    box_ref[0, 0] = acc[1]
    lm_ref[0, 0] = acc[2]
    np_ref[0, 0] = acc[3]


def _one_row(_r, logits_ref, boxes_ref, landm_ref, priors_ref, oidx_ref,
             tgt_ref, tgtT_ref, lc_ref, stats_ref, acc):
    G = tgt_ref.shape[1]
    P = priors_ref.shape[1]
    t = tgt_ref[_r]
    tT = tgtT_ref[_r]

    boxes = _detile(jnp.transpose(boxes_ref[_r], (1, 0)), 4)
    landms = _detile(jnp.transpose(landm_ref[_r], (1, 0)), 10)
    gT = jnp.transpose(logits_ref[_r], (1, 0))
    d = jnp.concatenate(
        [gT[2 * s + 1:2 * s + 2, :] - gT[2 * s:2 * s + 1, :]
         for s in range(_M)], axis=1)

    tx1, ty1, tx2, ty2 = t[:, 0:1], t[:, 1:2], t[:, 2:3], t[:, 3:4]

    pcx = priors_ref[0:1, :]
    pcy = priors_ref[1:2, :]
    pw = priors_ref[2:3, :]
    ph = priors_ref[3:4, :]
    px1 = pcx - pw * 0.5
    py1 = pcy - ph * 0.5
    px2 = pcx + pw * 0.5
    py2 = pcy + ph * 0.5

    iw = jnp.maximum(jnp.minimum(tx2, px2) - jnp.maximum(tx1, px1), 0.0)
    ih = jnp.maximum(jnp.minimum(ty2, py2) - jnp.maximum(ty1, py1), 0.0)
    inter = iw * ih
    area_a = (tx2 - tx1) * (ty2 - ty1)
    area_b = pw * ph
    iou = inter / (area_a + area_b - inter)

    bto = jnp.max(iou, axis=0, keepdims=True)
    m_g = jnp.max(iou, axis=1, keepdims=True)
    iota_g = lax.broadcasted_iota(jnp.int32, (G, P), 0)
    oidx = jnp.broadcast_to(oidx_ref[0:1, :], (G, P))
    bpi = jnp.min(jnp.where(iou == m_g, oidx, P), axis=1, keepdims=True)

    hitmask = oidx == bpi
    forced_g = jnp.max(jnp.where(hitmask, iota_g, -1), axis=0, keepdims=True)
    hit_any = forced_g >= 0

    pos = hit_any | (bto >= _THRESHOLD)
    posf = pos.astype(jnp.float32)

    onehot = jnp.where(hit_any, (iota_g == forced_g).astype(jnp.float32),
                       (iou == bto).astype(jnp.float32))
    matched = jnp.dot(tT, onehot, preferred_element_type=jnp.float32)
    mx1, my1 = matched[0:1, :], matched[1:2, :]
    mx2, my2 = matched[2:3, :], matched[3:4, :]

    gcx = ((mx1 + mx2) * 0.5 - pcx) / (_VAR0 * pw)
    gcy = ((my1 + my2) * 0.5 - pcy) / (_VAR0 * ph)
    gw = jnp.log((mx2 - mx1) / pw) / _VAR1
    gh = jnp.log((my2 - my1) / ph) / _VAR1
    loc_enc = jnp.concatenate([gcx, gcy, gw, gh], axis=0)
    box_sum = jnp.sum(_smooth_l1(boxes, loc_enc) * posf)

    lm_rows = []
    for k in range(5):
        lm_rows.append((matched[4 + 2 * k:5 + 2 * k, :] - pcx) / (_VAR0 * pw))
        lm_rows.append((matched[5 + 2 * k:6 + 2 * k, :] - pcy) / (_VAR0 * ph))
    lm_enc = jnp.concatenate(lm_rows, axis=0)
    lm_sum = jnp.sum(_smooth_l1(landms, lm_enc) * posf)

    npos = jnp.sum(posf)

    sp = jnp.log1p(jnp.exp(-jnp.abs(d))) + jnp.maximum(d, 0.0)
    pos_ce = jnp.sum(posf * (sp - d))
    loss_c = (1.0 - posf) * sp

    lc_ref[_r] = loss_c
    rowmax = jnp.max(loss_c)
    stats_ref[_r] = jnp.concatenate(
        [jnp.full((1, 128), npos, jnp.float32),
         jnp.full((1, 128), rowmax, jnp.float32)], axis=1)

    acc[0] += pos_ce
    acc[1] += box_sum
    acc[2] += lm_sum
    acc[3] += npos


def _topk_body(lc_ref, stats_ref, pce_ref, boxs_ref, lms_ref, npt_ref,
               out_cls, out_box, out_lm):
    P = lc_ref.shape[2]
    lc = lc_ref[:, 0, :]
    npr = stats_ref[:, 0, 0:1]
    rowmax = stats_ref[:, 0, 128:129]
    k = jnp.minimum(npr * float(_NEG_POS_RATIO), float(P - 1))

    def _gtf(thr):
        return jnp.maximum(jnp.sign(lc - jnp.broadcast_to(thr, lc.shape)), 0.0)

    def _bis(_, lohi):
        lo, hi = lohi
        mid = (lo + hi) * 0.5
        cnt = jnp.sum(_gtf(mid), axis=1, keepdims=True)
        gef = jnp.maximum(jnp.sign(cnt - k + 0.5), 0.0)
        return (lo + gef * (mid - lo), mid + gef * (hi - mid))

    lo0 = jnp.zeros_like(rowmax)
    lo, _hi = lax.fori_loop(0, _BISECT_ITERS, _bis, (lo0, rowmax))
    gtf = _gtf(lo)
    s_gt = jnp.sum(gtf * lc, axis=1, keepdims=True)
    c_gt = jnp.sum(gtf, axis=1, keepdims=True)
    neg_total = jnp.sum(s_gt + (k - c_gt) * lo)

    n = jnp.maximum(npt_ref[0, 0], 1.0)
    out_cls[0, 0] = (pce_ref[0, 0] + neg_total) / n
    out_box[0, 0] = boxs_ref[0, 0] / n
    out_lm[0, 0] = lms_ref[0, 0] / n


def kernel(pred_logits, pred_boxes, pred_landmarks, prior_boxes, targets):
    B, P, C = pred_logits.shape
    G = targets.shape[1]
    R = P // _M
    logits_r = pred_logits.reshape(B, R, _M * C)
    boxes_r = pred_boxes.reshape(B, R, _M * 4)
    landm_r = pred_landmarks.reshape(B, R, _M * 10)
    i = jnp.arange(P)
    old_of_new = (i % R) * _M + i // R
    priors_t = prior_boxes[old_of_new].T
    oidx = old_of_new.astype(jnp.int32).reshape(1, P)
    targets_tT = jnp.transpose(targets, (0, 2, 1))

    scalar = jax.ShapeDtypeStruct((1, 1), jnp.float32)
    smem_scalar_spec = pl.BlockSpec((1, 1), lambda *_: (0, 0),
                                    memory_space=pltpu.SMEM)
    lc, stats, pce, boxs, lms, npt = pl.pallas_call(
        _row_body,
        grid=(B // 2,),
        in_specs=[
            pl.BlockSpec((2, R, _M * C), lambda b: (b, 0, 0)),
            pl.BlockSpec((2, R, _M * 4), lambda b: (b, 0, 0)),
            pl.BlockSpec((2, R, _M * 10), lambda b: (b, 0, 0)),
            pl.BlockSpec((4, P), lambda b: (0, 0)),
            pl.BlockSpec((1, P), lambda b: (0, 0)),
            pl.BlockSpec((2, G, 15), lambda b: (b, 0, 0)),
            pl.BlockSpec((2, 15, G), lambda b: (b, 0, 0)),
        ],
        out_specs=[
            pl.BlockSpec((2, 1, P), lambda b: (b, 0, 0)),
            pl.BlockSpec((2, 1, 256), lambda b: (b, 0, 0)),
            smem_scalar_spec, smem_scalar_spec, smem_scalar_spec,
            smem_scalar_spec,
        ],
        out_shape=[
            jax.ShapeDtypeStruct((B, 1, P), jnp.float32),
            jax.ShapeDtypeStruct((B, 1, 256), jnp.float32),
            scalar, scalar, scalar, scalar,
        ],
        scratch_shapes=[pltpu.SMEM((4,), jnp.float32)],
    )(logits_r, boxes_r, landm_r, priors_t, oidx, targets, targets_tT)

    out_cls, out_box, out_lm = pl.pallas_call(
        _topk_body,
        in_specs=[
            pl.BlockSpec((B, 1, P), lambda: (0, 0, 0)),
            pl.BlockSpec((B, 1, 256), lambda: (0, 0, 0)),
            smem_scalar_spec, smem_scalar_spec, smem_scalar_spec,
            smem_scalar_spec,
        ],
        out_specs=[smem_scalar_spec, smem_scalar_spec, smem_scalar_spec],
        out_shape=[scalar, scalar, scalar],
    )(lc, stats, pce, boxs, lms, npt)
    return (out_cls.reshape(()), out_box.reshape(()), out_lm.reshape(()))

# --- scband reference (transcript-rebuilt; emitter-appended) ---
"""Pipeline reference for scband-multi-box-loss-86208583566074 (READ-ONLY COPY).

The authoritative reference and input builder live on the scoring server;
editing this copy changes nothing except your own understanding.
"""

import jax, jax.numpy as jnp
import numpy as np

NUM_CLASSES = 2
THRESHOLD = 0.35
NEG_POS_RATIO = 7
VAR0, VAR1 = 0.1, 0.2


def point_form(boxes):
    return jnp.concatenate([boxes[:, :2] - boxes[:, 2:] / 2,
                            boxes[:, :2] + boxes[:, 2:] / 2], axis=1)


def intersect(box_a, box_b):
    max_xy = jnp.minimum(box_a[:, None, 2:], box_b[None, :, 2:])
    min_xy = jnp.maximum(box_a[:, None, :2], box_b[None, :, :2])
    inter = jnp.clip(max_xy - min_xy, 0.0, None)
    return inter[..., 0] * inter[..., 1]


def jaccard(box_a, box_b):
    inter = intersect(box_a, box_b)
    area_a = ((box_a[:, 2] - box_a[:, 0]) * (box_a[:, 3] - box_a[:, 1]))[:, None]
    area_b = ((box_b[:, 2] - box_b[:, 0]) * (box_b[:, 3] - box_b[:, 1]))[None, :]
    union = area_a + area_b - inter
    return inter / union


def encode(matched, priors):
    g_cxcy = (matched[:, :2] + matched[:, 2:]) / 2 - priors[:, :2]
    g_cxcy = g_cxcy / (VAR0 * priors[:, 2:])
    g_wh = (matched[:, 2:] - matched[:, :2]) / priors[:, 2:]
    g_wh = jnp.log(g_wh) / VAR1
    return jnp.concatenate([g_cxcy, g_wh], axis=1)


def encode_landm(matched, priors):
    m = matched.reshape(-1, 5, 2)
    pr = jnp.broadcast_to(priors[:, None, :], (priors.shape[0], 5, 4))
    g_cxcy = (m - pr[:, :, :2]) / (VAR0 * pr[:, :, 2:])
    return g_cxcy.reshape(-1, 10)


def match_single(truths, priors, labels, landms):
    overlaps = jaccard(truths, point_form(priors))  # [G, P]
    best_prior_idx = jnp.argmax(overlaps, axis=1)   # [G]
    best_truth_overlap = jnp.max(overlaps, axis=0)  # [P]
    best_truth_idx = jnp.argmax(overlaps, axis=0)   # [P]
    best_truth_overlap = best_truth_overlap.at[best_prior_idx].set(2.0)
    best_truth_idx = best_truth_idx.at[best_prior_idx].set(jnp.arange(truths.shape[0]))
    matches = truths[best_truth_idx]
    conf = labels[best_truth_idx].astype(jnp.int32)
    conf = jnp.where(best_truth_overlap < THRESHOLD, 0, conf)
    loc = encode(matches, priors)
    landm = encode_landm(landms[best_truth_idx], priors)
    return loc, conf, landm


def smooth_l1(x, y):
    d = x - y
    a = jnp.abs(d)
    return jnp.where(a < 1.0, 0.5 * d * d, a - 0.5)


def log_sum_exp(x):
    x_max = jnp.max(x)
    return jnp.log(jnp.sum(jnp.exp(x - x_max), axis=1, keepdims=True)) + x_max


def reference(pred_logits, pred_boxes, pred_landmarks, prior_boxes, targets):
    B, P, C = pred_logits.shape
    loc_t, conf_t, landm_t = jax.vmap(
        lambda t: match_single(t[:, :4], prior_boxes, t[:, -1], t[:, 4:14]))(targets)
    # landmark loss over conf_t > 0
    pos_ldmks_mask = conf_t > 0
    N1 = jnp.maximum(jnp.sum(pos_ldmks_mask).astype(jnp.float32), 1.0)
    lm_mask = pos_ldmks_mask[:, :, None].astype(pred_landmarks.dtype)
    landmark_loss = jnp.sum(smooth_l1(pred_landmarks, landm_t) * lm_mask)
    # box loss over conf_t != 0
    pos_boxes_mask = conf_t != 0
    conf_t = jnp.where(pos_boxes_mask, 1, conf_t)
    bx_mask = pos_boxes_mask[:, :, None].astype(pred_boxes.dtype)
    box_loss = jnp.sum(smooth_l1(pred_boxes, loc_t) * bx_mask)
    # hard negative mining
    batch_conf = pred_logits.reshape(-1, C)
    loss_c = log_sum_exp(batch_conf) - jnp.take_along_axis(batch_conf, conf_t.reshape(-1, 1), axis=1)
    loss_c = jnp.where(pos_boxes_mask.reshape(-1, 1), 0.0, loss_c)
    loss_c = loss_c.reshape(B, -1)
    loss_idx = jnp.argsort(-loss_c, axis=1)
    idx_rank = jnp.argsort(loss_idx, axis=1)
    num_pos = jnp.sum(pos_boxes_mask.astype(jnp.int32), axis=1, keepdims=True)
    num_neg = jnp.clip(NEG_POS_RATIO * num_pos, None, P - 1)
    neg_boxes_mask = idx_rank < num_neg
    sel_mask = pos_boxes_mask | neg_boxes_mask
    # classification loss (cross entropy, sum over selected)
    log_probs = jax.nn.log_softmax(pred_logits, axis=-1)
    ce = -jnp.take_along_axis(log_probs, conf_t[:, :, None], axis=2)[:, :, 0]
    cls_loss = jnp.sum(ce * sel_mask.astype(ce.dtype))
    N = jnp.maximum(jnp.sum(num_pos).astype(jnp.float32), 1.0)
    return (cls_loss / N, box_loss / N, landmark_loss / N1)


def setup_inputs(seed: int = 0):
    key = jax.random.key(seed)
    k1, k2, k3, k4, k5, k6, k7, k8 = jax.random.split(key, 8)
    B, P, G = 32, 16800, 32
    pred_logits = jax.random.normal(k1, (B, P, NUM_CLASSES), dtype=jnp.float32)
    pred_boxes = jax.random.normal(k2, (B, P, 4), dtype=jnp.float32)
    pred_landmarks = jax.random.normal(k3, (B, P, 10), dtype=jnp.float32)
    # priors in center-size form
    p_cxcy = jax.random.uniform(k4, (P, 2), minval=0.05, maxval=0.95)
    p_wh = jax.random.uniform(k5, (P, 2), minval=0.02, maxval=0.3)
    prior_boxes = jnp.concatenate([p_cxcy, p_wh], axis=1).astype(jnp.float32)
    # GT boxes in corner form (x1<x2, y1<y2, positive w/h)
    t_cxcy = jax.random.uniform(k6, (B, G, 2), minval=0.1, maxval=0.9)
    t_wh = jax.random.uniform(k7, (B, G, 2), minval=0.05, maxval=0.3)
    x1y1 = jnp.clip(t_cxcy - t_wh / 2, 0.001, 0.98)
    x2y2 = jnp.clip(t_cxcy + t_wh / 2, x1y1 + 0.01, 1.0)
    landms = jax.random.uniform(k8, (B, G, 10))
    labels = jnp.ones((B, G, 1), dtype=jnp.float32)
    targets = jnp.concatenate([x1y1, x2y2, landms, labels], axis=2).astype(jnp.float32)
    return {"pred_logits": pred_logits, "pred_boxes": pred_boxes,
            "pred_landmarks": pred_landmarks, "prior_boxes": prior_boxes,
            "targets": targets}

if __name__ == "__main__":
    import jax
    _d = setup_inputs()
    print(jax.jit(kernel)(*tuple(_d.values())))

</pallas_src>

<mosaic_0001>
module attributes {stable_mosaic.version = 14 : i64} {
  func.func @_topk_body(%arg0: memref<32x1x16800xf32, #tpu.memory_space<vmem>>, %arg1: memref<32x1x256xf32, #tpu.memory_space<vmem>>, %arg2: memref<1x1xf32, #tpu.memory_space<smem>>, %arg3: memref<1x1xf32, #tpu.memory_space<smem>>, %arg4: memref<1x1xf32, #tpu.memory_space<smem>>, %arg5: memref<1x1xf32, #tpu.memory_space<smem>>, %arg6: memref<1x1xf32, #tpu.memory_space<smem>>, %arg7: memref<1x1xf32, #tpu.memory_space<smem>>, %arg8: memref<1x1xf32, #tpu.memory_space<smem>>) attributes {dimension_semantics = [], scalar_prefetch = 0 : i64, scratch_operands = 0 : i64, tpu.core_type = #tpu.core_type<tc>} {
    %get3A = arith.constant 0 : index
    %get3A_0 = arith.constant 0 : index
    %get3A_1 = arith.constant 0 : index
    %get3A_2 = vector.load %arg0[%get3A, %get3A_0, %get3A_1] : memref<32x1x16800xf32, #tpu.memory_space<vmem>>, vector<32x1x16800xf32>
    %get3A_3 = vector.shape_cast %get3A_2 : vector<32x1x16800xf32> to vector<32x16800xf32>
    %get3A_4 = arith.constant 0 : index
    %get3A_5 = arith.constant 0 : index
    %get3A_6 = arith.constant 0 : index
    %get3A_7 = vector.load %arg1[%get3A_4, %get3A_5, %get3A_6] : memref<32x1x256xf32, #tpu.memory_space<vmem>>, vector<32x1x1xf32>
    %get3A_8 = vector.shape_cast %get3A_7 : vector<32x1x1xf32> to vector<32x1xf32>
    %get3A_9 = arith.constant 0 : index
    %get3A_10 = arith.constant 0 : index
    %get3A_11 = arith.constant 128 : index
    %get3A_12 = vector.load %arg1[%get3A_9, %get3A_10, %get3A_11] : memref<32x1x256xf32, #tpu.memory_space<vmem>>, vector<32x1x1xf32>
    %get3A_13 = vector.shape_cast %get3A_12 : vector<32x1x1xf32> to vector<32x1xf32>
    %mul3A = arith.constant 7.000000e+00 : f32
    %mul3A_14 = vector.broadcast %mul3A : f32 to vector<32x1xf32>
    %mul3A_15 = arith.mulf %get3A_8, %mul3A_14 : vector<32x1xf32>
    %min3A = arith.constant 1.679900e+04 : f32
    %min3A_16 = vector.broadcast %min3A : f32 to vector<32x1xf32>
    %min3A_17 = arith.minimumf %mul3A_15, %min3A_16 : vector<32x1xf32>
    %broadcast_in_dim3A = arith.constant 0.000000e+00 : f32
    %broadcast_in_dim3A_18 = vector.broadcast %broadcast_in_dim3A : f32 to vector<32x1xf32>
    %scan3A = arith.constant 0 : i32
    %scan3A_19 = arith.constant 16 : i32
    %scan3A_20 = arith.addi %scan3A, %scan3A_19 : i32
    %scan3A_21 = arith.constant 1 : i32
    %scan3A_22:2 = scf.for %scan3A_77 = %scan3A to %scan3A_20 step %scan3A_21 iter_args(%scan3A_78 = %broadcast_in_dim3A_18, %scan3A_79 = %get3A_13) -> (vector<32x1xf32>, vector<32x1xf32>)  : i32 {
      %add3A_80 = arith.addf %scan3A_78, %scan3A_79 : vector<32x1xf32>
      %mul3A_81 = arith.constant 5.000000e-01 : f32
      %mul3A_82 = vector.broadcast %mul3A_81 : f32 to vector<32x1xf32>
      %mul3A_83 = arith.mulf %add3A_80, %mul3A_82 : vector<32x1xf32>
      %broadcast_in_dim3A_84 = vector.shape_cast %mul3A_83 : vector<32x1xf32> to vector<32x1xf32>
      %broadcast_in_dim3A_85 = vector.broadcast %broadcast_in_dim3A_84 : vector<32x1xf32> to vector<32x16800xf32>
      %sub3A_86 = arith.subf %get3A_3, %broadcast_in_dim3A_85 : vector<32x16800xf32>
      %sign3A_87 = tpu.bitcast %sub3A_86 : vector<32x16800xf32> -> vector<32x16800xi32>
      %sign3A_88 = arith.constant -2147483648 : i32
      %sign3A_89 = vector.broadcast %sign3A_88 : i32 to vector<32x16800xi32>
      %sign3A_90 = arith.andi %sign3A_87, %sign3A_89 : vector<32x16800xi32>
      %sign3A_91 = arith.constant 1065353216 : i32
      %sign3A_92 = vector.broadcast %sign3A_91 : i32 to vector<32x16800xi32>
      %sign3A_93 = arith.ori %sign3A_92, %sign3A_90 : vector<32x16800xi32>
      %sign3A_94 = tpu.bitcast %sign3A_93 : vector<32x16800xi32> -> vector<32x16800xf32>
      %sign3A_95 = math.absf %sub3A_86 : vector<32x16800xf32>
      %sign3A_96 = arith.constant 0.000000e+00 : f32
      %sign3A_97 = vector.broadcast %sign3A_96 : f32 to vector<32x16800xf32>
      %sign3A_98 = arith.cmpf ogt, %sign3A_95, %sign3A_97 : vector<32x16800xf32>
      %sign3A_99 = arith.select %sign3A_98, %sign3A_94, %sub3A_86 : vector<32x16800xi1>, vector<32x16800xf32>
      %max3A_100 = arith.constant 0.000000e+00 : f32
      %max3A_101 = vector.broadcast %max3A_100 : f32 to vector<32x16800xf32>
      %max3A_102 = arith.maximumf %sign3A_99, %max3A_101 : vector<32x16800xf32>
      %reduce_sum3A_103 = arith.constant dense<0.000000e+00> : vector<32xf32>
      %reduce_sum3A_104 = vector.multi_reduction <add>, %max3A_102, %reduce_sum3A_103 [1] : vector<32x16800xf32> to vector<32xf32>
      %broadcast_in_dim3A_105 = vector.shape_cast %reduce_sum3A_104 : vector<32xf32> to vector<32x1xf32>
      %sub3A_106 = arith.subf %broadcast_in_dim3A_105, %min3A_17 : vector<32x1xf32>
      %add3A_107 = arith.constant 5.000000e-01 : f32
      %add3A_108 = vector.broadcast %add3A_107 : f32 to vector<32x1xf32>
      %add3A_109 = arith.addf %sub3A_106, %add3A_108 : vector<32x1xf32>
      %sign3A_110 = tpu.bitcast %add3A_109 : vector<32x1xf32> -> vector<32x1xi32>
      %sign3A_111 = arith.constant -2147483648 : i32
      %sign3A_112 = vector.broadcast %sign3A_111 : i32 to vector<32x1xi32>
      %sign3A_113 = arith.andi %sign3A_110, %sign3A_112 : vector<32x1xi32>
      %sign3A_114 = arith.constant 1065353216 : i32
      %sign3A_115 = vector.broadcast %sign3A_114 : i32 to vector<32x1xi32>
      %sign3A_116 = arith.ori %sign3A_115, %sign3A_113 : vector<32x1xi32>
      %sign3A_117 = tpu.bitcast %sign3A_116 : vector<32x1xi32> -> vector<32x1xf32>
      %sign3A_118 = math.absf %add3A_109 : vector<32x1xf32>
      %sign3A_119 = arith.constant 0.000000e+00 : f32
      %sign3A_120 = vector.broadcast %sign3A_119 : f32 to vector<32x1xf32>
      %sign3A_121 = arith.cmpf ogt, %sign3A_118, %sign3A_120 : vector<32x1xf32>
      %sign3A_122 = arith.select %sign3A_121, %sign3A_117, %add3A_109 : vector<32x1xi1>, vector<32x1xf32>
      %max3A_123 = arith.constant 0.000000e+00 : f32
      %max3A_124 = vector.broadcast %max3A_123 : f32 to vector<32x1xf32>
      %max3A_125 = arith.maximumf %sign3A_122, %max3A_124 : vector<32x1xf32>
      %sub3A_126 = arith.subf %mul3A_83, %scan3A_78 : vector<32x1xf32>
      %mul3A_127 = arith.mulf %max3A_125, %sub3A_126 : vector<32x1xf32>
      %add3A_128 = arith.addf %scan3A_78, %mul3A_127 : vector<32x1xf32>
      %sub3A_129 = arith.subf %scan3A_79, %mul3A_83 : vector<32x1xf32>
      %mul3A_130 = arith.mulf %max3A_125, %sub3A_129 : vector<32x1xf32>
      %add3A_131 = arith.addf %mul3A_83, %mul3A_130 : vector<32x1xf32>
      scf.yield %add3A_128, %add3A_131 : vector<32x1xf32>, vector<32x1xf32>
    }
    %broadcast_in_dim3A_23 = vector.shape_cast %scan3A_22#0 : vector<32x1xf32> to vector<32x1xf32>
    %broadcast_in_dim3A_24 = vector.broadcast %broadcast_in_dim3A_23 : vector<32x1xf32> to vector<32x16800xf32>
    %sub3A = arith.subf %get3A_3, %broadcast_in_dim3A_24 : vector<32x16800xf32>
    %sign3A = tpu.bitcast %sub3A : vector<32x16800xf32> -> vector<32x16800xi32>
    %sign3A_25 = arith.constant -2147483648 : i32
    %sign3A_26 = vector.broadcast %sign3A_25 : i32 to vector<32x16800xi32>
    %sign3A_27 = arith.andi %sign3A, %sign3A_26 : vector<32x16800xi32>
    %sign3A_28 = arith.constant 1065353216 : i32
    %sign3A_29 = vector.broadcast %sign3A_28 : i32 to vector<32x16800xi32>
    %sign3A_30 = arith.ori %sign3A_29, %sign3A_27 : vector<32x16800xi32>
    %sign3A_31 = tpu.bitcast %sign3A_30 : vector<32x16800xi32> -> vector<32x16800xf32>
    %sign3A_32 = math.absf %sub3A : vector<32x16800xf32>
    %sign3A_33 = arith.constant 0.000000e+00 : f32
    %sign3A_34 = vector.broadcast %sign3A_33 : f32 to vector<32x16800xf32>
    %sign3A_35 = arith.cmpf ogt, %sign3A_32, %sign3A_34 : vector<32x16800xf32>
    %sign3A_36 = arith.select %sign3A_35, %sign3A_31, %sub3A : vector<32x16800xi1>, vector<32x16800xf32>
    %max3A = arith.constant 0.000000e+00 : f32
    %max3A_37 = vector.broadcast %max3A : f32 to vector<32x16800xf32>
    %max3A_38 = arith.maximumf %sign3A_36, %max3A_37 : vector<32x16800xf32>
    %mul3A_39 = arith.mulf %max3A_38, %get3A_3 : vector<32x16800xf32>
    %reduce_sum3A = arith.constant dense<0.000000e+00> : vector<32xf32>
    %reduce_sum3A_40 = vector.multi_reduction <add>, %mul3A_39, %reduce_sum3A [1] : vector<32x16800xf32> to vector<32xf32>
    %broadcast_in_dim3A_41 = vector.shape_cast %reduce_sum3A_40 : vector<32xf32> to vector<32x1xf32>
    %reduce_sum3A_42 = arith.constant dense<0.000000e+00> : vector<32xf32>
    %reduce_sum3A_43 = vector.multi_reduction <add>, %max3A_38, %reduce_sum3A_42 [1] : vector<32x16800xf32> to vector<32xf32>
    %broadcast_in_dim3A_44 = vector.shape_cast %reduce_sum3A_43 : vector<32xf32> to vector<32x1xf32>
    %sub3A_45 = arith.subf %min3A_17, %broadcast_in_dim3A_44 : vector<32x1xf32>
    %mul3A_46 = arith.mulf %sub3A_45, %scan3A_22#0 : vector<32x1xf32>
    %add3A = arith.addf %broadcast_in_dim3A_41, %mul3A_46 : vector<32x1xf32>
    %reduce_sum3A_47 = vector.shape_cast %add3A : vector<32x1xf32> to vector<1x32x1xf32>
    %reduce_sum3A_48 = arith.constant dense<0.000000e+00> : vector<1xf32>
    %reduce_sum3A_49 = vector.multi_reduction <add>, %reduce_sum3A_47, %reduce_sum3A_48 [1, 2] : vector<1x32x1xf32> to vector<1xf32>
    %reduce_sum3A_50 = vector.shape_cast %reduce_sum3A_49 : vector<1xf32> to vector<1x1x1xf32>
    %reduce_sum3A_51 = vector.extract %reduce_sum3A_50[0, 0, 0] : f32 from vector<1x1x1xf32>
    %get3A_52 = arith.constant 0 : index
    %get3A_53 = arith.constant 0 : index
    %get3A_54 = memref.load %arg5[%get3A_52, %get3A_53] : memref<1x1xf32, #tpu.memory_space<smem>>
    %max3A_55 = arith.constant 1.000000e+00 : f32
    %max3A_56 = arith.maximumf %get3A_54, %max3A_55 : f32
    %get3A_57 = arith.constant 0 : index
    %get3A_58 = arith.constant 0 : index
    %get3A_59 = memref.load %arg2[%get3A_57, %get3A_58] : memref<1x1xf32, #tpu.memory_space<smem>>
    %add3A_60 = arith.addf %get3A_59, %reduce_sum3A_51 : f32
    %div3A = arith.divf %add3A_60, %max3A_56 : f32
    %swap3A = arith.constant 0 : index
    %swap3A_61 = arith.constant 0 : index
    %swap3A_62 = memref.load %arg6[%swap3A, %swap3A_61] : memref<1x1xf32, #tpu.memory_space<smem>>
    memref.store %div3A, %arg6[%swap3A, %swap3A_61] : memref<1x1xf32, #tpu.memory_space<smem>>
    %get3A_63 = arith.constant 0 : index
    %get3A_64 = arith.constant 0 : index
    %get3A_65 = memref.load %arg3[%get3A_63, %get3A_64] : memref<1x1xf32, #tpu.memory_space<smem>>
    %div3A_66 = arith.divf %get3A_65, %max3A_56 : f32
    %swap3A_67 = arith.constant 0 : index
    %swap3A_68 = arith.constant 0 : index
    %swap3A_69 = memref.load %arg7[%swap3A_67, %swap3A_68] : memref<1x1xf32, #tpu.memory_space<smem>>
    memref.store %div3A_66, %arg7[%swap3A_67, %swap3A_68] : memref<1x1xf32, #tpu.memory_space<smem>>
    %get3A_70 = arith.constant 0 : index
    %get3A_71 = arith.constant 0 : index
    %get3A_72 = memref.load %arg4[%get3A_70, %get3A_71] : memref<1x1xf32, #tpu.memory_space<smem>>
    %div3A_73 = arith.divf %get3A_72, %max3A_56 : f32
    %swap3A_74 = arith.constant 0 : index
    %swap3A_75 = arith.constant 0 : index
    %swap3A_76 = memref.load %arg8[%swap3A_74, %swap3A_75] : memref<1x1xf32, #tpu.memory_space<smem>>
    memref.store %div3A_73, %arg8[%swap3A_74, %swap3A_75] : memref<1x1xf32, #tpu.memory_space<smem>>
    return
  }
}

module attributes {stable_mosaic.version = 14 : i64} {
  func.func @_row_body(%arg0: i32, %arg1: memref<2x1400x24xf32, #tpu.memory_space<vmem>>, %arg2: memref<2x1400x48xf32, #tpu.memory_space<vmem>>, %arg3: memref<2x1400x120xf32, #tpu.memory_space<vmem>>, %arg4: memref<4x16800xf32, #tpu.memory_space<vmem>>, %arg5: memref<1x16800xi32, #tpu.memory_space<vmem>>, %arg6: memref<2x32x15xf32, #tpu.memory_space<vmem>>, %arg7: memref<2x15x32xf32, #tpu.memory_space<vmem>>, %arg8: memref<2x1x16800xf32, #tpu.memory_space<vmem>>, %arg9: memref<2x1x256xf32, #tpu.memory_space<vmem>>, %arg10: memref<1x1xf32, #tpu.memory_space<smem>>, %arg11: memref<1x1xf32, #tpu.memory_space<smem>>, %arg12: memref<1x1xf32, #tpu.memory_space<smem>>, %arg13: memref<1x1xf32, #tpu.memory_space<smem>>, %arg14: memref<4xf32, #tpu.memory_space<smem>>) attributes {dimension_semantics = [#tpu.dimension_semantics<arbitrary>], iteration_bounds = array<i64: 16>, scalar_prefetch = 0 : i64, scratch_operands = 1 : i64, tpu.core_type = #tpu.core_type<tc>, window_params = [{transform_indices = @transform_0, window_bounds = array<i64: 2, 1400, 24>}, {transform_indices = @transform_1, window_bounds = array<i64: 2, 1400, 48>}, {transform_indices = @transform_2, window_bounds = array<i64: 2, 1400, 120>}, {pipeline_mode = #tpu.pipeline_mode<synchronous>, transform_indices = @transform_3, window_bounds = array<i64: 4, 16800>}, {pipeline_mode = #tpu.pipeline_mode<synchronous>, transform_indices = @transform_4, window_bounds = array<i64: 1, 16800>}, {transform_indices = @transform_5, window_bounds = array<i64: 2, 32, 15>}, {transform_indices = @transform_6, window_bounds = array<i64: 2, 15, 32>}, {transform_indices = @transform_7, window_bounds = array<i64: 2, 1, 16800>}, {transform_indices = @transform_8, window_bounds = array<i64: 2, 1, 256>}, {transform_indices = @transform_9, window_bounds = array<i64: 1, 1>}, {transform_indices = @transform_10, window_bounds = array<i64: 1, 1>}, {transform_indices = @transform_11, window_bounds = array<i64: 1, 1>}, {transform_indices = @transform_12, window_bounds = array<i64: 1, 1>}]} {
    %eq3A = arith.constant 0 : i32
    %eq3A_0 = arith.cmpi eq, %arg0, %eq3A : i32
    %convert_element_type3A = arith.extui %eq3A_0 : i1 to i32
    %cond3A = arith.constant 0 : i32
    %cond3A_1 = arith.cmpi ne, %convert_element_type3A, %cond3A : i32
    scf.if %cond3A_1 {
      %swap3A_1121 = arith.constant 0.000000e+00 : f32
      %swap3A_1122 = arith.constant 0 : index
      %swap3A_1123 = memref.load %arg14[%swap3A_1122] : memref<4xf32, #tpu.memory_space<smem>>
      memref.store %swap3A_1121, %arg14[%swap3A_1122] : memref<4xf32, #tpu.memory_space<smem>>
      %swap3A_1124 = arith.constant 0.000000e+00 : f32
      %swap3A_1125 = arith.constant 1 : index
      %swap3A_1126 = memref.load %arg14[%swap3A_1125] : memref<4xf32, #tpu.memory_space<smem>>
      memref.store %swap3A_1124, %arg14[%swap3A_1125] : memref<4xf32, #tpu.memory_space<smem>>
      %swap3A_1127 = arith.constant 0.000000e+00 : f32
      %swap3A_1128 = arith.constant 2 : index
      %swap3A_1129 = memref.load %arg14[%swap3A_1128] : memref<4xf32, #tpu.memory_space<smem>>
      memref.store %swap3A_1127, %arg14[%swap3A_1128] : memref<4xf32, #tpu.memory_space<smem>>
      %swap3A_1130 = arith.constant 0.000000e+00 : f32
      %swap3A_1131 = arith.constant 3 : index
      %swap3A_1132 = memref.load %arg14[%swap3A_1131] : memref<4xf32, #tpu.memory_space<smem>>
      memref.store %swap3A_1130, %arg14[%swap3A_1131] : memref<4xf32, #tpu.memory_space<smem>>
    } else {
    }
    %get3A = arith.constant 0 : index
    %get3A_2 = arith.constant 0 : index
    %get3A_3 = arith.constant 0 : index
    %get3A_4 = vector.load %arg6[%get3A, %get3A_2, %get3A_3] : memref<2x32x15xf32, #tpu.memory_space<vmem>>, vector<1x32x15xf32>
    %get3A_5 = vector.shape_cast %get3A_4 : vector<1x32x15xf32> to vector<32x15xf32>
    %get3A_6 = arith.constant 0 : index
    %get3A_7 = arith.constant 0 : index
    %get3A_8 = arith.constant 0 : index
    %get3A_9 = vector.load %arg7[%get3A_6, %get3A_7, %get3A_8] : memref<2x15x32xf32, #tpu.memory_space<vmem>>, vector<1x15x32xf32>
    %get3A_10 = vector.shape_cast %get3A_9 : vector<1x15x32xf32> to vector<15x32xf32>
    %get3A_11 = arith.constant 0 : index
    %get3A_12 = arith.constant 0 : index
    %get3A_13 = arith.constant 0 : index
    %get3A_14 = vector.load %arg2[%get3A_11, %get3A_12, %get3A_13] : memref<2x1400x48xf32, #tpu.memory_space<vmem>>, vector<1x1400x48xf32>
    %get3A_15 = vector.shape_cast %get3A_14 : vector<1x1400x48xf32> to vector<1400x48xf32>
    %transpose3A = tpu.transpose %get3A_15, [1, 0] : vector<1400x48xf32> -> vector<48x1400xf32>
    %slice3A = vector.extract_strided_slice %transpose3A {offsets = [0, 0], sizes = [1, 1400], strides = [1, 1]} : vector<48x1400xf32> to vector<1x1400xf32>
    %slice3A_16 = vector.extract_strided_slice %transpose3A {offsets = [4, 0], sizes = [1, 1400], strides = [1, 1]} : vector<48x1400xf32> to vector<1x1400xf32>
    %slice3A_17 = vector.extract_strided_slice %transpose3A {offsets = [8, 0], sizes = [1, 1400], strides = [1, 1]} : vector<48x1400xf32> to vector<1x1400xf32>
    %slice3A_18 = vector.extract_strided_slice %transpose3A {offsets = [12, 0], sizes = [1, 1400], strides = [1, 1]} : vector<48x1400xf32> to vector<1x1400xf32>
    %slice3A_19 = vector.extract_strided_slice %transpose3A {offsets = [16, 0], sizes = [1, 1400], strides = [1, 1]} : vector<48x1400xf32> to vector<1x1400xf32>
    %slice3A_20 = vector.extract_strided_slice %transpose3A {offsets = [20, 0], sizes = [1, 1400], strides = [1, 1]} : vector<48x1400xf32> to vector<1x1400xf32>
    %slice3A_21 = vector.extract_strided_slice %transpose3A {offsets = [24, 0], sizes = [1, 1400], strides = [1, 1]} : vector<48x1400xf32> to vector<1x1400xf32>
    %slice3A_22 = vector.extract_strided_slice %transpose3A {offsets = [28, 0], sizes = [1, 1400], strides = [1, 1]} : vector<48x1400xf32> to vector<1x1400xf32>
    %slice3A_23 = vector.extract_strided_slice %transpose3A {offsets = [32, 0], sizes = [1, 1400], strides = [1, 1]} : vector<48x1400xf32> to vector<1x1400xf32>
    %slice3A_24 = vector.extract_strided_slice %transpose3A {offsets = [36, 0], sizes = [1, 1400], strides = [1, 1]} : vector<48x1400xf32> to vector<1x1400xf32>
    %slice3A_25 = vector.extract_strided_slice %transpose3A {offsets = [40, 0], sizes = [1, 1400], strides = [1, 1]} : vector<48x1400xf32> to vector<1x1400xf32>
    %slice3A_26 = vector.extract_strided_slice %transpose3A {offsets = [44, 0], sizes = [1, 1400], strides = [1, 1]} : vector<48x1400xf32> to vector<1x1400xf32>
    %concatenate3A = tpu.concatenate %slice3A, %slice3A_16, %slice3A_17, %slice3A_18, %slice3A_19, %slice3A_20, %slice3A_21, %slice3A_22, %slice3A_23, %slice3A_24, %slice3A_25, %slice3A_26 in 1 : vector<1x1400xf32>, vector<1x1400xf32>, vector<1x1400xf32>, vector<1x1400xf32>, vector<1x1400xf32>, vector<1x1400xf32>, vector<1x1400xf32>, vector<1x1400xf32>, vector<1x1400xf32>, vector<1x1400xf32>, vector<1x1400xf32>, vector<1x1400xf32> -> vector<1x16800xf32>
    %slice3A_27 = vector.extract_strided_slice %transpose3A {offsets = [1, 0], sizes = [1, 1400], strides = [1, 1]} : vector<48x1400xf32> to vector<1x1400xf32>
    %slice3A_28 = vector.extract_strided_slice %transpose3A {offsets = [5, 0], sizes = [1, 1400], strides = [1, 1]} : vector<48x1400xf32> to vector<1x1400xf32>
    %slice3A_29 = vector.extract_strided_slice %transpose3A {offsets = [9, 0], sizes = [1, 1400], strides = [1, 1]} : vector<48x1400xf32> to vector<1x1400xf32>
    %slice3A_30 = vector.extract_strided_slice %transpose3A {offsets = [13, 0], sizes = [1, 1400], strides = [1, 1]} : vector<48x1400xf32> to vector<1x1400xf32>
    %slice3A_31 = vector.extract_strided_slice %transpose3A {offsets = [17, 0], sizes = [1, 1400], strides = [1, 1]} : vector<48x1400xf32> to vector<1x1400xf32>
    %slice3A_32 = vector.extract_strided_slice %transpose3A {offsets = [21, 0], sizes = [1, 1400], strides = [1, 1]} : vector<48x1400xf32> to vector<1x1400xf32>
    %slice3A_33 = vector.extract_strided_slice %transpose3A {offsets = [25, 0], sizes = [1, 1400], strides = [1, 1]} : vector<48x1400xf32> to vector<1x1400xf32>
    %slice3A_34 = vector.extract_strided_slice %transpose3A {offsets = [29, 0], sizes = [1, 1400], strides = [1, 1]} : vector<48x1400xf32> to vector<1x1400xf32>
    %slice3A_35 = vector.extract_strided_slice %transpose3A {offsets = [33, 0], sizes = [1, 1400], strides = [1, 1]} : vector<48x1400xf32> to vector<1x1400xf32>
    %slice3A_36 = vector.extract_strided_slice %transpose3A {offsets = [37, 0], sizes = [1, 1400], strides = [1, 1]} : vector<48x1400xf32> to vector<1x1400xf32>
    %slice3A_37 = vector.extract_strided_slice %transpose3A {offsets = [41, 0], sizes = [1, 1400], strides = [1, 1]} : vector<48x1400xf32> to vector<1x1400xf32>
    %slice3A_38 = vector.extract_strided_slice %transpose3A {offsets = [45, 0], sizes = [1, 1400], strides = [1, 1]} : vector<48x1400xf32> to vector<1x1400xf32>
    %concatenate3A_39 = tpu.concatenate %slice3A_27, %slice3A_28, %slice3A_29, %slice3A_30, %slice3A_31, %slice3A_32, %slice3A_33, %slice3A_34, %slice3A_35, %slice3A_36, %slice3A_37, %slice3A_38 in 1 : vector<1x1400xf32>, vector<1x1400xf32>, vector<1x1400xf32>, vector<1x1400xf32>, vector<1x1400xf32>, vector<1x1400xf32>, vector<1x1400xf32>, vector<1x1400xf32>, vector<1x1400xf32>, vector<1x1400xf32>, vector<1x1400xf32>, vector<1x1400xf32> -> vector<1x16800xf32>
    %slice3A_40 = vector.extract_strided_slice %transpose3A {offsets = [2, 0], sizes = [1, 1400], strides = [1, 1]} : vector<48x1400xf32> to vector<1x1400xf32>
    %slice3A_41 = vector.extract_strided_slice %transpose3A {offsets = [6, 0], sizes = [1, 1400], strides = [1, 1]} : vector<48x1400xf32> to vector<1x1400xf32>
    %slice3A_42 = vector.extract_strided_slice %transpose3A {offsets = [10, 0], sizes = [1, 1400], strides = [1, 1]} : vector<48x1400xf32> to vector<1x1400xf32>
    %slice3A_43 = vector.extract_strided_slice %transpose3A {offsets = [14, 0], sizes = [1, 1400], strides = [1, 1]} : vector<48x1400xf32> to vector<1x1400xf32>
    %slice3A_44 = vector.extract_strided_slice %transpose3A {offsets = [18, 0], sizes = [1, 1400], strides = [1, 1]} : vector<48x1400xf32> to vector<1x1400xf32>
    %slice3A_45 = vector.extract_strided_slice %transpose3A {offsets = [22, 0], sizes = [1, 1400], strides = [1, 1]} : vector<48x1400xf32> to vector<1x1400xf32>
    %slice3A_46 = vector.extract_strided_slice %transpose3A {offsets = [26, 0], sizes = [1, 1400], strides = [1, 1]} : vector<48x1400xf32> to vector<1x1400xf32>
    %slice3A_47 = vector.extract_strided_slice %transpose3A {offsets = [30, 0], sizes = [1, 1400], strides = [1, 1]} : vector<48x1400xf32> to vector<1x1400xf32>
    %slice3A_48 = vector.extract_strided_slice %transpose3A {offsets = [34, 0], sizes = [1, 1400], strides = [1, 1]} : vector<48x1400xf32> to vector<1x1400xf32>
    %slice3A_49 = vector.extract_strided_slice %transpose3A {offsets = [38, 0], sizes = [1, 1400], strides = [1, 1]} : vector<48x1400xf32> to vector<1x1400xf32>
    %slice3A_50 = vector.extract_strided_slice %transpose3A {offsets = [42, 0], sizes = [1, 1400], strides = [1, 1]} : vector<48x1400xf32> to vector<1x1400xf32>
    %slice3A_51 = vector.extract_strided_slice %transpose3A {offsets = [46, 0], sizes = [1, 1400], strides = [1, 1]} : vector<48x1400xf32> to vector<1x1400xf32>
    %concatenate3A_52 = tpu.concatenate %slice3A_40, %slice3A_41, %slice3A_42, %slice3A_43, %slice3A_44, %slice3A_45, %slice3A_46, %slice3A_47, %slice3A_48, %slice3A_49, %slice3A_50, %slice3A_51 in 1 : vector<1x1400xf32>, vector<1x1400xf32>, vector<1x1400xf32>, vector<1x1400xf32>, vector<1x1400xf32>, vector<1x1400xf32>, vector<1x1400xf32>, vector<1x1400xf32>, vector<1x1400xf32>, vector<1x1400xf32>, vector<1x1400xf32>, vector<1x1400xf32> -> vector<1x16800xf32>
    %slice3A_53 = vector.extract_strided_slice %transpose3A {offsets = [3, 0], sizes = [1, 1400], strides = [1, 1]} : vector<48x1400xf32> to vector<1x1400xf32>
    %slice3A_54 = vector.extract_strided_slice %transpose3A {offsets = [7, 0], sizes = [1, 1400], strides = [1, 1]} : vector<48x1400xf32> to vector<1x1400xf32>
    %slice3A_55 = vector.extract_strided_slice %transpose3A {offsets = [11, 0], sizes = [1, 1400], strides = [1, 1]} : vector<48x1400xf32> to vector<1x1400xf32>
    %slice3A_56 = vector.extract_strided_slice %transpose3A {offsets = [15, 0], sizes = [1, 1400], strides = [1, 1]} : vector<48x1400xf32> to vector<1x1400xf32>
    %slice3A_57 = vector.extract_strided_slice %transpose3A {offsets = [19, 0], sizes = [1, 1400], strides = [1, 1]} : vector<48x1400xf32> to vector<1x1400xf32>
    %slice3A_58 = vector.extract_strided_slice %transpose3A {offsets = [23, 0], sizes = [1, 1400], strides = [1, 1]} : vector<48x1400xf32> to vector<1x1400xf32>
    %slice3A_59 = vector.extract_strided_slice %transpose3A {offsets = [27, 0], sizes = [1, 1400], strides = [1, 1]} : vector<48x1400xf32> to vector<1x1400xf32>
    %slice3A_60 = vector.extract_strided_slice %transpose3A {offsets = [31, 0], sizes = [1, 1400], strides = [1, 1]} : vector<48x1400xf32> to vector<1x1400xf32>
    %slice3A_61 = vector.extract_strided_slice %transpose3A {offsets = [35, 0], sizes = [1, 1400], strides = [1, 1]} : vector<48x1400xf32> to vector<1x1400xf32>
    %slice3A_62 = vector.extract_strided_slice %transpose3A {offsets = [39, 0], sizes = [1, 1400], strides = [1, 1]} : vector<48x1400xf32> to vector<1x1400xf32>
    %slice3A_63 = vector.extract_strided_slice %transpose3A {offsets = [43, 0], sizes = [1, 1400], strides = [1, 1]} : vector<48x1400xf32> to vector<1x1400xf32>
    %slice3A_64 = vector.extract_strided_slice %transpose3A {offsets = [47, 0], sizes = [1, 1400], strides = [1, 1]} : vector<48x1400xf32> to vector<1x1400xf32>
    %concatenate3A_65 = tpu.concatenate %slice3A_53, %slice3A_54, %slice3A_55, %slice3A_56, %slice3A_57, %slice3A_58, %slice3A_59, %slice3A_60, %slice3A_61, %slice3A_62, %slice3A_63, %slice3A_64 in 1 : vector<1x1400xf32>, vector<1x1400xf32>, vector<1x1400xf32>, vector<1x1400xf32>, vector<1x1400xf32>, vector<1x1400xf32>, vector<1x1400xf32>, vector<1x1400xf32>, vector<1x1400xf32>, vector<1x1400xf32>, vector<1x1400xf32>, vector<1x1400xf32> -> vector<1x16800xf32>
    %concatenate3A_66 = tpu.concatenate %concatenate3A, %concatenate3A_39, %concatenate3A_52, %concatenate3A_65 in 0 : vector<1x16800xf32>, vector<1x16800xf32>, vector<1x16800xf32>, vector<1x16800xf32> -> vector<4x16800xf32>
    %get3A_67 = arith.constant 0 : index
    %get3A_68 = arith.constant 0 : index
    %get3A_69 = arith.constant 0 : index
    %get3A_70 = vector.load %arg3[%get3A_67, %get3A_68, %get3A_69] : memref<2x1400x120xf32, #tpu.memory_space<vmem>>, vector<1x1400x120xf32>
    %get3A_71 = vector.shape_cast %get3A_70 : vector<1x1400x120xf32> to vector<1400x120xf32>
    %transpose3A_72 = tpu.transpose %get3A_71, [1, 0] : vector<1400x120xf32> -> vector<120x1400xf32>
    %slice3A_73 = vector.extract_strided_slice %transpose3A_72 {offsets = [0, 0], sizes = [1, 1400], strides = [1, 1]} : vector<120x1400xf32> to vector<1x1400xf32>
    %slice3A_74 = vector.extract_strided_slice %transpose3A_72 {offsets = [10, 0], sizes = [1, 1400], strides = [1, 1]} : vector<120x1400xf32> to vector<1x1400xf32>
    %slice3A_75 = vector.extract_strided_slice %transpose3A_72 {offsets = [20, 0], sizes = [1, 1400], strides = [1, 1]} : vector<120x1400xf32> to vector<1x1400xf32>
    %slice3A_76 = vector.extract_strided_slice %transpose3A_72 {offsets = [30, 0], sizes = [1, 1400], strides = [1, 1]} : vector<120x1400xf32> to vector<1x1400xf32>
    %slice3A_77 = vector.extract_strided_slice %transpose3A_72 {offsets = [40, 0], sizes = [1, 1400], strides = [1, 1]} : vector<120x1400xf32> to vector<1x1400xf32>
    %slice3A_78 = vector.extract_strided_slice %transpose3A_72 {offsets = [50, 0], sizes = [1, 1400], strides = [1, 1]} : vector<120x1400xf32> to vector<1x1400xf32>
    %slice3A_79 = vector.extract_strided_slice %transpose3A_72 {offsets = [60, 0], sizes = [1, 1400], strides = [1, 1]} : vector<120x1400xf32> to vector<1x1400xf32>
    %slice3A_80 = vector.extract_strided_slice %transpose3A_72 {offsets = [70, 0], sizes = [1, 1400], strides = [1, 1]} : vector<120x1400xf32> to vector<1x1400xf32>
    %slice3A_81 = vector.extract_strided_slice %transpose3A_72 {offsets = [80, 0], sizes = [1, 1400], strides = [1, 1]} : vector<120x1400xf32> to vector<1x1400xf32>
    %slice3A_82 = vector.extract_strided_slice %transpose3A_72 {offsets = [90, 0], sizes = [1, 1400], strides = [1, 1]} : vector<120x1400xf32> to vector<1x1400xf32>
    %slice3A_83 = vector.extract_strided_slice %transpose3A_72 {offsets = [100, 0], sizes = [1, 1400], strides = [1, 1]} : vector<120x1400xf32> to vector<1x1400xf32>
    %slice3A_84 = vector.extract_strided_slice %transpose3A_72 {offsets = [110, 0], sizes = [1, 1400], strides = [1, 1]} : vector<120x1400xf32> to vector<1x1400xf32>
    %concatenate3A_85 = tpu.concatenate %slice3A_73, %slice3A_74, %slice3A_75, %slice3A_76, %slice3A_77, %slice3A_78, %slice3A_79, %slice3A_80, %slice3A_81, %slice3A_82, %slice3A_83, %slice3A_84 in 1 : vector<1x1400xf32>, vector<1x1400xf32>, vector<1x1400xf32>, vector<1x1400xf32>, vector<1x1400xf32>, vector<1x1400xf32>, vector<1x1400xf32>, vector<1x1400xf32>, vector<1x1400xf32>, vector<1x1400xf32>, vector<1x1400xf32>, vector<1x1400xf32> -> vector<1x16800xf32>
    %slice3A_86 = vector.extract_strided_slice %transpose3A_72 {offsets = [1, 0], sizes = [1, 1400], strides = [1, 1]} : vector<120x1400xf32> to vector<1x1400xf32>
    %slice3A_87 = vector.extract_strided_slice %transpose3A_72 {offsets = [11, 0], sizes = [1, 1400], strides = [1, 1]} : vector<120x1400xf32> to vector<1x1400xf32>
    %slice3A_88 = vector.extract_strided_slice %transpose3A_72 {offsets = [21, 0], sizes = [1, 1400], strides = [1, 1]} : vector<120x1400xf32> to vector<1x1400xf32>
    %slice3A_89 = vector.extract_strided_slice %transpose3A_72 {offsets = [31, 0], sizes = [1, 1400], strides = [1, 1]} : vector<120x1400xf32> to vector<1x1400xf32>
    %slice3A_90 = vector.extract_strided_slice %transpose3A_72 {offsets = [41, 0], sizes = [1, 1400], strides = [1, 1]} : vector<120x1400xf32> to vector<1x1400xf32>
    %slice3A_91 = vector.extract_strided_slice %transpose3A_72 {offsets = [51, 0], sizes = [1, 1400], strides = [1, 1]} : vector<120x1400xf32> to vector<1x1400xf32>
    %slice3A_92 = vector.extract_strided_slice %transpose3A_72 {offsets = [61, 0], sizes = [1, 1400], strides = [1, 1]} : vector<120x1400xf32> to vector<1x1400xf32>
    %slice3A_93 = vector.extract_strided_slice %transpose3A_72 {offsets = [71, 0], sizes = [1, 1400], strides = [1, 1]} : vector<120x1400xf32> to vector<1x1400xf32>
    %slice3A_94 = vector.extract_strided_slice %transpose3A_72 {offsets = [81, 0], sizes = [1, 1400], strides = [1, 1]} : vector<120x1400xf32> to vector<1x1400xf32>
    %slice3A_95 = vector.extract_strided_slice %transpose3A_72 {offsets = [91, 0], sizes = [1, 1400], strides = [1, 1]} : vector<120x1400xf32> to vector<1x1400xf32>
    %slice3A_96 = vector.extract_strided_slice %transpose3A_72 {offsets = [101, 0], sizes = [1, 1400], strides = [1, 1]} : vector<120x1400xf32> to vector<1x1400xf32>
    %slice3A_97 = vector.extract_strided_slice %transpose3A_72 {offsets = [111, 0], sizes = [1, 1400], strides = [1, 1]} : vector<120x1400xf32> to vector<1x1400xf32>
    %concatenate3A_98 = tpu.concatenate %slice3A_86, %slice3A_87, %slice3A_88, %slice3A_89, %slice3A_90, %slice3A_91, %slice3A_92, %slice3A_93, %slice3A_94, %slice3A_95, %slice3A_96, %slice3A_97 in 1 : vector<1x1400xf32>, vector<1x1400xf32>, vector<1x1400xf32>, vector<1x1400xf32>, vector<1x1400xf32>, vector<1x1400xf32>, vector<1x1400xf32>, vector<1x1400xf32>, vector<1x1400xf32>, vector<1x1400xf32>, vector<1x1400xf32>, vector<1x1400xf32> -> vector<1x16800xf32>
    %slice3A_99 = vector.extract_strided_slice %transpose3A_72 {offsets = [2, 0], sizes = [1, 1400], strides = [1, 1]} : vector<120x1400xf32> to vector<1x1400xf32>
    %slice3A_100 = vector.extract_strided_slice %transpose3A_72 {offsets = [12, 0], sizes = [1, 1400], strides = [1, 1]} : vector<120x1400xf32> to vector<1x1400xf32>
    %slice3A_101 = vector.extract_strided_slice %transpose3A_72 {offsets = [22, 0], sizes = [1, 1400], strides = [1, 1]} : vector<120x1400xf32> to vector<1x1400xf32>
    %slice3A_102 = vector.extract_strided_slice %transpose3A_72 {offsets = [32, 0], sizes = [1, 1400], strides = [1, 1]} : vector<120x1400xf32> to vector<1x1400xf32>
    %slice3A_103 = vector.extract_strided_slice %transpose3A_72 {offsets = [42, 0], sizes = [1, 1400], strides = [1, 1]} : vector<120x1400xf32> to vector<1x1400xf32>
    %slice3A_104 = vector.extract_strided_slice %transpose3A_72 {offsets = [52, 0], sizes = [1, 1400], strides = [1, 1]} : vector<120x1400xf32> to vector<1x1400xf32>
    %slice3A_105 = vector.extract_strided_slice %transpose3A_72 {offsets = [62, 0], sizes = [1, 1400], strides = [1, 1]} : vector<120x1400xf32> to vector<1x1400xf32>
    %slice3A_106 = vector.extract_strided_slice %transpose3A_72 {offsets = [72, 0], sizes = [1, 1400], strides = [1, 1]} : vector<120x1400xf32> to vector<1x1400xf32>
    %slice3A_107 = vector.extract_strided_slice %transpose3A_72 {offsets = [82, 0], sizes = [1, 1400], strides = [1, 1]} : vector<120x1400xf32> to vector<1x1400xf32>
    %slice3A_108 = vector.extract_strided_slice %transpose3A_72 {offsets = [92, 0], sizes = [1, 1400], strides = [1, 1]} : vector<120x1400xf32> to vector<1x1400xf32>
    %slice3A_109 = vector.extract_strided_slice %transpose3A_72 {offsets = [102, 0], sizes = [1, 1400], strides = [1, 1]} : vector<120x1400xf32> to vector<1x1400xf32>
    %slice3A_110 = vector.extract_strided_slice %transpose3A_72 {offsets = [112, 0], sizes = [1, 1400], strides = [1, 1]} : vector<120x1400xf32> to vector<1x1400xf32>
    %concatenate3A_111 = tpu.concatenate %slice3A_99, %slice3A_100, %slice3A_101, %slice3A_102, %slice3A_103, %slice3A_104, %slice3A_105, %slice3A_106, %slice3A_107, %slice3A_108, %slice3A_109, %slice3A_110 in 1 : vector<1x1400xf32>, vector<1x1400xf32>, vector<1x1400xf32>, vector<1x1400xf32>, vector<1x1400xf32>, vector<1x1400xf32>, vector<1x1400xf32>, vector<1x1400xf32>, vector<1x1400xf32>, vector<1x1400xf32>, vector<1x1400xf32>, vector<1x1400xf32> -> vector<1x16800xf32>
    %slice3A_112 = vector.extract_strided_slice %transpose3A_72 {offsets = [3, 0], sizes = [1, 1400], strides = [1, 1]} : vector<120x1400xf32> to vector<1x1400xf32>
    %slice3A_113 = vector.extract_strided_slice %transpose3A_72 {offsets = [13, 0], sizes = [1, 1400], strides = [1, 1]} : vector<120x1400xf32> to vector<1x1400xf32>
    %slice3A_114 = vector.extract_strided_slice %transpose3A_72 {offsets = [23, 0], sizes = [1, 1400], strides = [1, 1]} : vector<120x1400xf32> to vector<1x1400xf32>
    %slice3A_115 = vector.extract_strided_slice %transpose3A_72 {offsets = [33, 0], sizes = [1, 1400], strides = [1, 1]} : vector<120x1400xf32> to vector<1x1400xf32>
    %slice3A_116 = vector.extract_strided_slice %transpose3A_72 {offsets = [43, 0], sizes = [1, 1400], strides = [1, 1]} : vector<120x1400xf32> to vector<1x1400xf32>
    %slice3A_117 = vector.extract_strided_slice %transpose3A_72 {offsets = [53, 0], sizes = [1, 1400], strides = [1, 1]} : vector<120x1400xf32> to vector<1x1400xf32>
    %slice3A_118 = vector.extract_strided_slice %transpose3A_72 {offsets = [63, 0], sizes = [1, 1400], strides = [1, 1]} : vector<120x1400xf32> to vector<1x1400xf32>
    %slice3A_119 = vector.extract_strided_slice %transpose3A_72 {offsets = [73, 0], sizes = [1, 1400], strides = [1, 1]} : vector<120x1400xf32> to vector<1x1400xf32>
    %slice3A_120 = vector.extract_strided_slice %transpose3A_72 {offsets = [83, 0], sizes = [1, 1400], strides = [1, 1]} : vector<120x1400xf32> to vector<1x1400xf32>
    %slice3A_121 = vector.extract_strided_slice %transpose3A_72 {offsets = [93, 0], sizes = [1, 1400], strides = [1, 1]} : vector<120x1400xf32> to vector<1x1400xf32>
    %slice3A_122 = vector.extract_strided_slice %transpose3A_72 {offsets = [103, 0], sizes = [1, 1400], strides = [1, 1]} : vector<120x1400xf32> to vector<1x1400xf32>
    %slice3A_123 = vector.extract_strided_slice %transpose3A_72 {offsets = [113, 0], sizes = [1, 1400], strides = [1, 1]} : vector<120x1400xf32> to vector<1x1400xf32>
    %concatenate3A_124 = tpu.concatenate %slice3A_112, %slice3A_113, %slice3A_114, %slice3A_115, %slice3A_116, %slice3A_117, %slice3A_118, %slice3A_119, %slice3A_120, %slice3A_121, %slice3A_122, %slice3A_123 in 1 : vector<1x1400xf32>, vector<1x1400xf32>, vector<1x1400xf32>, vector<1x1400xf32>, vector<1x1400xf32>, vector<1x1400xf32>, vector<1x1400xf32>, vector<1x1400xf32>, vector<1x1400xf32>, vector<1x1400xf32>, vector<1x1400xf32>, vector<1x1400xf32> -> vector<1x16800xf32>
    %slice3A_125 = vector.extract_strided_slice %transpose3A_72 {offsets = [4, 0], sizes = [1, 1400], strides = [1, 1]} : vector<120x1400xf32> to vector<1x1400xf32>
    %slice3A_126 = vector.extract_strided_slice %transpose3A_72 {offsets = [14, 0], sizes = [1, 1400], strides = [1, 1]} : vector<120x1400xf32> to vector<1x1400xf32>
    %slice3A_127 = vector.extract_strided_slice %transpose3A_72 {offsets = [24, 0], sizes = [1, 1400], strides = [1, 1]} : vector<120x1400xf32> to vector<1x1400xf32>
    %slice3A_128 = vector.extract_strided_slice %transpose3A_72 {offsets = [34, 0], sizes = [1, 1400], strides = [1, 1]} : vector<120x1400xf32> to vector<1x1400xf32>
    %slice3A_129 = vector.extract_strided_slice %transpose3A_72 {offsets = [44, 0], sizes = [1, 1400], strides = [1, 1]} : vector<120x1400xf32> to vector<1x1400xf32>
    %slice3A_130 = vector.extract_strided_slice %transpose3A_72 {offsets = [54, 0], sizes = [1, 1400], strides = [1, 1]} : vector<120x1400xf32> to vector<1x1400xf32>
    %slice3A_131 = vector.extract_strided_slice %transpose3A_72 {offsets = [64, 0], sizes = [1, 1400], strides = [1, 1]} : vector<120x1400xf32> to vector<1x1400xf32>
    %slice3A_132 = vector.extract_strided_slice %transpose3A_72 {offsets = [74, 0], sizes = [1, 1400], strides = [1, 1]} : vector<120x1400xf32> to vector<1x1400xf32>
    %slice3A_133 = vector.extract_strided_slice %transpose3A_72 {offsets = [84, 0], sizes = [1, 1400], strides = [1, 1]} : vector<120x1400xf32> to vector<1x1400xf32>
    %slice3A_134 = vector.extract_strided_slice %transpose3A_72 {offsets = [94, 0], sizes = [1, 1400], strides = [1, 1]} : vector<120x1400xf32> to vector<1x1400xf32>
    %slice3A_135 = vector.extract_strided_slice %transpose3A_72 {offsets = [104, 0], sizes = [1, 1400], strides = [1, 1]} : vector<120x1400xf32> to vector<1x1400xf32>
    %slice3A_136 = vector.extract_strided_slice %transpose3A_72 {offsets = [114, 0], sizes = [1, 1400], strides = [1, 1]} : vector<120x1400xf32> to vector<1x1400xf32>
    %concatenate3A_137 = tpu.concatenate %slice3A_125, %slice3A_126, %slice3A_127, %slice3A_128, %slice3A_129, %slice3A_130, %slice3A_131, %slice3A_132, %slice3A_133, %slice3A_134, %slice3A_135, %slice3A_136 in 1 : vector<1x1400xf32>, vector<1x1400xf32>, vector<1x1400xf32>, vector<1x1400xf32>, vector<1x1400xf32>, vector<1x1400xf32>, vector<1x1400xf32>, vector<1x1400xf32>, vector<1x1400xf32>, vector<1x1400xf32>, vector<1x1400xf32>, vector<1x1400xf32> -> vector<1x16800xf32>
    %slice3A_138 = vector.extract_strided_slice %transpose3A_72 {offsets = [5, 0], sizes = [1, 1400], strides = [1, 1]} : vector<120x1400xf32> to vector<1x1400xf32>
    %slice3A_139 = vector.extract_strided_slice %transpose3A_72 {offsets = [15, 0], sizes = [1, 1400], strides = [1, 1]} : vector<120x1400xf32> to vector<1x1400xf32>
    %slice3A_140 = vector.extract_strided_slice %transpose3A_72 {offsets = [25, 0], sizes = [1, 1400], strides = [1, 1]} : vector<120x1400xf32> to vector<1x1400xf32>
    %slice3A_141 = vector.extract_strided_slice %transpose3A_72 {offsets = [35, 0], sizes = [1, 1400], strides = [1, 1]} : vector<120x1400xf32> to vector<1x1400xf32>
    %slice3A_142 = vector.extract_strided_slice %transpose3A_72 {offsets = [45, 0], sizes = [1, 1400], strides = [1, 1]} : vector<120x1400xf32> to vector<1x1400xf32>
    %slice3A_143 = vector.extract_strided_slice %transpose3A_72 {offsets = [55, 0], sizes = [1, 1400], strides = [1, 1]} : vector<120x1400xf32> to vector<1x1400xf32>
    %slice3A_144 = vector.extract_strided_slice %transpose3A_72 {offsets = [65, 0], sizes = [1, 1400], strides = [1, 1]} : vector<120x1400xf32> to vector<1x1400xf32>
    %slice3A_145 = vector.extract_strided_slice %transpose3A_72 {offsets = [75, 0], sizes = [1, 1400], strides = [1, 1]} : vector<120x1400xf32> to vector<1x1400xf32>
    %slice3A_146 = vector.extract_strided_slice %transpose3A_72 {offsets = [85, 0], sizes = [1, 1400], strides = [1, 1]} : vector<120x1400xf32> to vector<1x1400xf32>
    %slice3A_147 = vector.extract_strided_slice %transpose3A_72 {offsets = [95, 0], sizes = [1, 1400], strides = [1, 1]} : vector<120x1400xf32> to vector<1x1400xf32>
    %slice3A_148 = vector.extract_strided_slice %transpose3A_72 {offsets = [105, 0], sizes = [1, 1400], strides = [1, 1]} : vector<120x1400xf32> to vector<1x1400xf32>
    %slice3A_149 = vector.extract_strided_slice %transpose3A_72 {offsets = [115, 0], sizes = [1, 1400], strides = [1, 1]} : vector<120x1400xf32> to vector<1x1400xf32>
    %concatenate3A_150 = tpu.concatenate %slice3A_138, %slice3A_139, %slice3A_140, %slice3A_141, %slice3A_142, %slice3A_143, %slice3A_144, %slice3A_145, %slice3A_146, %slice3A_147, %slice3A_148, %slice3A_149 in 1 : vector<1x1400xf32>, vector<1x1400xf32>, vector<1x1400xf32>, vector<1x1400xf32>, vector<1x1400xf32>, vector<1x1400xf32>, vector<1x1400xf32>, vector<1x1400xf32>, vector<1x1400xf32>, vector<1x1400xf32>, vector<1x1400xf32>, vector<1x1400xf32> -> vector<1x16800xf32>
    %slice3A_151 = vector.extract_strided_slice %transpose3A_72 {offsets = [6, 0], sizes = [1, 1400], strides = [1, 1]} : vector<120x1400xf32> to vector<1x1400xf32>
    %slice3A_152 = vector.extract_strided_slice %transpose3A_72 {offsets = [16, 0], sizes = [1, 1400], strides = [1, 1]} : vector<120x1400xf32> to vector<1x1400xf32>
    %slice3A_153 = vector.extract_strided_slice %transpose3A_72 {offsets = [26, 0], sizes = [1, 1400], strides = [1, 1]} : vector<120x1400xf32> to vector<1x1400xf32>
    %slice3A_154 = vector.extract_strided_slice %transpose3A_72 {offsets = [36, 0], sizes = [1, 1400], strides = [1, 1]} : vector<120x1400xf32> to vector<1x1400xf32>
    %slice3A_155 = vector.extract_strided_slice %transpose3A_72 {offsets = [46, 0], sizes = [1, 1400], strides = [1, 1]} : vector<120x1400xf32> to vector<1x1400xf32>
    %slice3A_156 = vector.extract_strided_slice %transpose3A_72 {offsets = [56, 0], sizes = [1, 1400], strides = [1, 1]} : vector<120x1400xf32> to vector<1x1400xf32>
    %slice3A_157 = vector.extract_strided_slice %transpose3A_72 {offsets = [66, 0], sizes = [1, 1400], strides = [1, 1]} : vector<120x1400xf32> to vector<1x1400xf32>
    %slice3A_158 = vector.extract_strided_slice %transpose3A_72 {offsets = [76, 0], sizes = [1, 1400], strides = [1, 1]} : vector<120x1400xf32> to vector<1x1400xf32>
    %slice3A_159 = vector.extract_strided_slice %transpose3A_72 {offsets = [86, 0], sizes = [1, 1400], strides = [1, 1]} : vector<120x1400xf32> to vector<1x1400xf32>
    %slice3A_160 = vector.extract_strided_slice %transpose3A_72 {offsets = [96, 0], sizes = [1, 1400], strides = [1, 1]} : vector<120x1400xf32> to vector<1x1400xf32>
    %slice3A_161 = vector.extract_strided_slice %transpose3A_72 {offsets = [106, 0], sizes = [1, 1400], strides = [1, 1]} : vector<120x1400xf32> to vector<1x1400xf32>
    %slice3A_162 = vector.extract_strided_slice %transpose3A_72 {offsets = [116, 0], sizes = [1, 1400], strides = [1, 1]} : vector<120x1400xf32> to vector<1x1400xf32>
    %concatenate3A_163 = tpu.concatenate %slice3A_151, %slice3A_152, %slice3A_153, %slice3A_154, %slice3A_155, %slice3A_156, %slice3A_157, %slice3A_158, %slice3A_159, %slice3A_160, %slice3A_161, %slice3A_162 in 1 : vector<1x1400xf32>, vector<1x1400xf32>, vector<1x1400xf32>, vector<1x1400xf32>, vector<1x1400xf32>, vector<1x1400xf32>, vector<1x1400xf32>, vector<1x1400xf32>, vector<1x1400xf32>, vector<1x1400xf32>, vector<1x1400xf32>, vector<1x1400xf32> -> vector<1x16800xf32>
    %slice3A_164 = vector.extract_strided_slice %transpose3A_72 {offsets = [7, 0], sizes = [1, 1400], strides = [1, 1]} : vector<120x1400xf32> to vector<1x1400xf32>
    %slice3A_165 = vector.extract_strided_slice %transpose3A_72 {offsets = [17, 0], sizes = [1, 1400], strides = [1, 1]} : vector<120x1400xf32> to vector<1x1400xf32>
    %slice3A_166 = vector.extract_strided_slice %transpose3A_72 {offsets = [27, 0], sizes = [1, 1400], strides = [1, 1]} : vector<120x1400xf32> to vector<1x1400xf32>
    %slice3A_167 = vector.extract_strided_slice %transpose3A_72 {offsets = [37, 0], sizes = [1, 1400], strides = [1, 1]} : vector<120x1400xf32> to vector<1x1400xf32>
    %slice3A_168 = vector.extract_strided_slice %transpose3A_72 {offsets = [47, 0], sizes = [1, 1400], strides = [1, 1]} : vector<120x1400xf32> to vector<1x1400xf32>
    %slice3A_169 = vector.extract_strided_slice %transpose3A_72 {offsets = [57, 0], sizes = [1, 1400], strides = [1, 1]} : vector<120x1400xf32> to vector<1x1400xf32>
    %slice3A_170 = vector.extract_strided_slice %transpose3A_72 {offsets = [67, 0], sizes = [1, 1400], strides = [1, 1]} : vector<120x1400xf32> to vector<1x1400xf32>
    %slice3A_171 = vector.extract_strided_slice %transpose3A_72 {offsets = [77, 0], sizes = [1, 1400], strides = [1, 1]} : vector<120x1400xf32> to vector<1x1400xf32>
    %slice3A_172 = vector.extract_strided_slice %transpose3A_72 {offsets = [87, 0], sizes = [1, 1400], strides = [1, 1]} : vector<120x1400xf32> to vector<1x1400xf32>
    %slice3A_173 = vector.extract_strided_slice %transpose3A_72 {offsets = [97, 0], sizes = [1, 1400], strides = [1, 1]} : vector<120x1400xf32> to vector<1x1400xf32>
    %slice3A_174 = vector.extract_strided_slice %transpose3A_72 {offsets = [107, 0], sizes = [1, 1400], strides = [1, 1]} : vector<120x1400xf32> to vector<1x1400xf32>
    %slice3A_175 = vector.extract_strided_slice %transpose3A_72 {offsets = [117, 0], sizes = [1, 1400], strides = [1, 1]} : vector<120x1400xf32> to vector<1x1400xf32>
    %concatenate3A_176 = tpu.concatenate %slice3A_164, %slice3A_165, %slice3A_166, %slice3A_167, %slice3A_168, %slice3A_169, %slice3A_170, %slice3A_171, %slice3A_172, %slice3A_173, %slice3A_174, %slice3A_175 in 1 : vector<1x1400xf32>, vector<1x1400xf32>, vector<1x1400xf32>, vector<1x1400xf32>, vector<1x1400xf32>, vector<1x1400xf32>, vector<1x1400xf32>, vector<1x1400xf32>, vector<1x1400xf32>, vector<1x1400xf32>, vector<1x1400xf32>, vector<1x1400xf32> -> vector<1x16800xf32>
    %slice3A_177 = vector.extract_strided_slice %transpose3A_72 {offsets = [8, 0], sizes = [1, 1400], strides = [1, 1]} : vector<120x1400xf32> to vector<1x1400xf32>
    %slice3A_178 = vector.extract_strided_slice %transpose3A_72 {offsets = [18, 0], sizes = [1, 1400], strides = [1, 1]} : vector<120x1400xf32> to vector<1x1400xf32>
    %slice3A_179 = vector.extract_strided_slice %transpose3A_72 {offsets = [28, 0], sizes = [1, 1400], strides = [1, 1]} : vector<120x1400xf32> to vector<1x1400xf32>
    %slice3A_180 = vector.extract_strided_slice %transpose3A_72 {offsets = [38, 0], sizes = [1, 1400], strides = [1, 1]} : vector<120x1400xf32> to vector<1x1400xf32>
    %slice3A_181 = vector.extract_strided_slice %transpose3A_72 {offsets = [48, 0], sizes = [1, 1400], strides = [1, 1]} : vector<120x1400xf32> to vector<1x1400xf32>
    %slice3A_182 = vector.extract_strided_slice %transpose3A_72 {offsets = [58, 0], sizes = [1, 1400], strides = [1, 1]} : vector<120x1400xf32> to vector<1x1400xf32>
    %slice3A_183 = vector.extract_strided_slice %transpose3A_72 {offsets = [68, 0], sizes = [1, 1400], strides = [1, 1]} : vector<120x1400xf32> to vector<1x1400xf32>
    %slice3A_184 = vector.extract_strided_slice %transpose3A_72 {offsets = [78, 0], sizes = [1, 1400], strides = [1, 1]} : vector<120x1400xf32> to vector<1x1400xf32>
    %slice3A_185 = vector.extract_strided_slice %transpose3A_72 {offsets = [88, 0], sizes = [1, 1400], strides = [1, 1]} : vector<120x1400xf32> to vector<1x1400xf32>
    %slice3A_186 = vector.extract_strided_slice %transpose3A_72 {offsets = [98, 0], sizes = [1, 1400], strides = [1, 1]} : vector<120x1400xf32> to vector<1x1400xf32>
    %slice3A_187 = vector.extract_strided_slice %transpose3A_72 {offsets = [108, 0], sizes = [1, 1400], strides = [1, 1]} : vector<120x1400xf32> to vector<1x1400xf32>
    %slice3A_188 = vector.extract_strided_slice %transpose3A_72 {offsets = [118, 0], sizes = [1, 1400], strides = [1, 1]} : vector<120x1400xf32> to vector<1x1400xf32>
    %concatenate3A_189 = tpu.concatenate %slice3A_177, %slice3A_178, %slice3A_179, %slice3A_180, %slice3A_181, %slice3A_182, %slice3A_183, %slice3A_184, %slice3A_185, %slice3A_186, %slice3A_187, %slice3A_188 in 1 : vector<1x1400xf32>, vector<1x1400xf32>, vector<1x1400xf32>, vector<1x1400xf32>, vector<1x1400xf32>, vector<1x1400xf32>, vector<1x1400xf32>, vector<1x1400xf32>, vector<1x1400xf32>, vector<1x1400xf32>, vector<1x1400xf32>, vector<1x1400xf32> -> vector<1x16800xf32>
    %slice3A_190 = vector.extract_strided_slice %transpose3A_72 {offsets = [9, 0], sizes = [1, 1400], strides = [1, 1]} : vector<120x1400xf32> to vector<1x1400xf32>
    %slice3A_191 = vector.extract_strided_slice %transpose3A_72 {offsets = [19, 0], sizes = [1, 1400], strides = [1, 1]} : vector<120x1400xf32> to vector<1x1400xf32>
    %slice3A_192 = vector.extract_strided_slice %transpose3A_72 {offsets = [29, 0], sizes = [1, 1400], strides = [1, 1]} : vector<120x1400xf32> to vector<1x1400xf32>
    %slice3A_193 = vector.extract_strided_slice %transpose3A_72 {offsets = [39, 0], sizes = [1, 1400], strides = [1, 1]} : vector<120x1400xf32> to vector<1x1400xf32>
    %slice3A_194 = vector.extract_strided_slice %transpose3A_72 {offsets = [49, 0], sizes = [1, 1400], strides = [1, 1]} : vector<120x1400xf32> to vector<1x1400xf32>
    %slice3A_195 = vector.extract_strided_slice %transpose3A_72 {offsets = [59, 0], sizes = [1, 1400], strides = [1, 1]} : vector<120x1400xf32> to vector<1x1400xf32>
    %slice3A_196 = vector.extract_strided_slice %transpose3A_72 {offsets = [69, 0], sizes = [1, 1400], strides = [1, 1]} : vector<120x1400xf32> to vector<1x1400xf32>
    %slice3A_197 = vector.extract_strided_slice %transpose3A_72 {offsets = [79, 0], sizes = [1, 1400], strides = [1, 1]} : vector<120x1400xf32> to vector<1x1400xf32>
    %slice3A_198 = vector.extract_strided_slice %transpose3A_72 {offsets = [89, 0], sizes = [1, 1400], strides = [1, 1]} : vector<120x1400xf32> to vector<1x1400xf32>
    %slice3A_199 = vector.extract_strided_slice %transpose3A_72 {offsets = [99, 0], sizes = [1, 1400], strides = [1, 1]} : vector<120x1400xf32> to vector<1x1400xf32>
    %slice3A_200 = vector.extract_strided_slice %transpose3A_72 {offsets = [109, 0], sizes = [1, 1400], strides = [1, 1]} : vector<120x1400xf32> to vector<1x1400xf32>
    %slice3A_201 = vector.extract_strided_slice %transpose3A_72 {offsets = [119, 0], sizes = [1, 1400], strides = [1, 1]} : vector<120x1400xf32> to vector<1x1400xf32>
    %concatenate3A_202 = tpu.concatenate %slice3A_190, %slice3A_191, %slice3A_192, %slice3A_193, %slice3A_194, %slice3A_195, %slice3A_196, %slice3A_197, %slice3A_198, %slice3A_199, %slice3A_200, %slice3A_201 in 1 : vector<1x1400xf32>, vector<1x1400xf32>, vector<1x1400xf32>, vector<1x1400xf32>, vector<1x1400xf32>, vector<1x1400xf32>, vector<1x1400xf32>, vector<1x1400xf32>, vector<1x1400xf32>, vector<1x1400xf32>, vector<1x1400xf32>, vector<1x1400xf32> -> vector<1x16800xf32>
    %concatenate3A_203 = tpu.concatenate %concatenate3A_85, %concatenate3A_98, %concatenate3A_111, %concatenate3A_124, %concatenate3A_137, %concatenate3A_150, %concatenate3A_163, %concatenate3A_176, %concatenate3A_189, %concatenate3A_202 in 0 : vector<1x16800xf32>, vector<1x16800xf32>, vector<1x16800xf32>, vector<1x16800xf32>, vector<1x16800xf32>, vector<1x16800xf32>, vector<1x16800xf32>, vector<1x16800xf32>, vector<1x16800xf32>, vector<1x16800xf32> -> vector<10x16800xf32>
    %get3A_204 = arith.constant 0 : index
    %get3A_205 = arith.constant 0 : index
    %get3A_206 = arith.constant 0 : index
    %get3A_207 = vector.load %arg1[%get3A_204, %get3A_205, %get3A_206] : memref<2x1400x24xf32, #tpu.memory_space<vmem>>, vector<1x1400x24xf32>
    %get3A_208 = vector.shape_cast %get3A_207 : vector<1x1400x24xf32> to vector<1400x24xf32>
    %transpose3A_209 = tpu.transpose %get3A_208, [1, 0] : vector<1400x24xf32> -> vector<24x1400xf32>
    %slice3A_210 = vector.extract_strided_slice %transpose3A_209 {offsets = [1, 0], sizes = [1, 1400], strides = [1, 1]} : vector<24x1400xf32> to vector<1x1400xf32>
    %slice3A_211 = vector.extract_strided_slice %transpose3A_209 {offsets = [0, 0], sizes = [1, 1400], strides = [1, 1]} : vector<24x1400xf32> to vector<1x1400xf32>
    %sub3A = arith.subf %slice3A_210, %slice3A_211 : vector<1x1400xf32>
    %slice3A_212 = vector.extract_strided_slice %transpose3A_209 {offsets = [3, 0], sizes = [1, 1400], strides = [1, 1]} : vector<24x1400xf32> to vector<1x1400xf32>
    %slice3A_213 = vector.extract_strided_slice %transpose3A_209 {offsets = [2, 0], sizes = [1, 1400], strides = [1, 1]} : vector<24x1400xf32> to vector<1x1400xf32>
    %sub3A_214 = arith.subf %slice3A_212, %slice3A_213 : vector<1x1400xf32>
    %slice3A_215 = vector.extract_strided_slice %transpose3A_209 {offsets = [5, 0], sizes = [1, 1400], strides = [1, 1]} : vector<24x1400xf32> to vector<1x1400xf32>
    %slice3A_216 = vector.extract_strided_slice %transpose3A_209 {offsets = [4, 0], sizes = [1, 1400], strides = [1, 1]} : vector<24x1400xf32> to vector<1x1400xf32>
    %sub3A_217 = arith.subf %slice3A_215, %slice3A_216 : vector<1x1400xf32>
    %slice3A_218 = vector.extract_strided_slice %transpose3A_209 {offsets = [7, 0], sizes = [1, 1400], strides = [1, 1]} : vector<24x1400xf32> to vector<1x1400xf32>
    %slice3A_219 = vector.extract_strided_slice %transpose3A_209 {offsets = [6, 0], sizes = [1, 1400], strides = [1, 1]} : vector<24x1400xf32> to vector<1x1400xf32>
    %sub3A_220 = arith.subf %slice3A_218, %slice3A_219 : vector<1x1400xf32>
    %slice3A_221 = vector.extract_strided_slice %transpose3A_209 {offsets = [9, 0], sizes = [1, 1400], strides = [1, 1]} : vector<24x1400xf32> to vector<1x1400xf32>
    %slice3A_222 = vector.extract_strided_slice %transpose3A_209 {offsets = [8, 0], sizes = [1, 1400], strides = [1, 1]} : vector<24x1400xf32> to vector<1x1400xf32>
    %sub3A_223 = arith.subf %slice3A_221, %slice3A_222 : vector<1x1400xf32>
    %slice3A_224 = vector.extract_strided_slice %transpose3A_209 {offsets = [11, 0], sizes = [1, 1400], strides = [1, 1]} : vector<24x1400xf32> to vector<1x1400xf32>
    %slice3A_225 = vector.extract_strided_slice %transpose3A_209 {offsets = [10, 0], sizes = [1, 1400], strides = [1, 1]} : vector<24x1400xf32> to vector<1x1400xf32>
    %sub3A_226 = arith.subf %slice3A_224, %slice3A_225 : vector<1x1400xf32>
    %slice3A_227 = vector.extract_strided_slice %transpose3A_209 {offsets = [13, 0], sizes = [1, 1400], strides = [1, 1]} : vector<24x1400xf32> to vector<1x1400xf32>
    %slice3A_228 = vector.extract_strided_slice %transpose3A_209 {offsets = [12, 0], sizes = [1, 1400], strides = [1, 1]} : vector<24x1400xf32> to vector<1x1400xf32>
    %sub3A_229 = arith.subf %slice3A_227, %slice3A_228 : vector<1x1400xf32>
    %slice3A_230 = vector.extract_strided_slice %transpose3A_209 {offsets = [15, 0], sizes = [1, 1400], strides = [1, 1]} : vector<24x1400xf32> to vector<1x1400xf32>
    %slice3A_231 = vector.extract_strided_slice %transpose3A_209 {offsets = [14, 0], sizes = [1, 1400], strides = [1, 1]} : vector<24x1400xf32> to vector<1x1400xf32>
    %sub3A_232 = arith.subf %slice3A_230, %slice3A_231 : vector<1x1400xf32>
    %slice3A_233 = vector.extract_strided_slice %transpose3A_209 {offsets = [17, 0], sizes = [1, 1400], strides = [1, 1]} : vector<24x1400xf32> to vector<1x1400xf32>
    %slice3A_234 = vector.extract_strided_slice %transpose3A_209 {offsets = [16, 0], sizes = [1, 1400], strides = [1, 1]} : vector<24x1400xf32> to vector<1x1400xf32>
    %sub3A_235 = arith.subf %slice3A_233, %slice3A_234 : vector<1x1400xf32>
    %slice3A_236 = vector.extract_strided_slice %transpose3A_209 {offsets = [19, 0], sizes = [1, 1400], strides = [1, 1]} : vector<24x1400xf32> to vector<1x1400xf32>
    %slice3A_237 = vector.extract_strided_slice %transpose3A_209 {offsets = [18, 0], sizes = [1, 1400], strides = [1, 1]} : vector<24x1400xf32> to vector<1x1400xf32>
    %sub3A_238 = arith.subf %slice3A_236, %slice3A_237 : vector<1x1400xf32>
    %slice3A_239 = vector.extract_strided_slice %transpose3A_209 {offsets = [21, 0], sizes = [1, 1400], strides = [1, 1]} : vector<24x1400xf32> to vector<1x1400xf32>
    %slice3A_240 = vector.extract_strided_slice %transpose3A_209 {offsets = [20, 0], sizes = [1, 1400], strides = [1, 1]} : vector<24x1400xf32> to vector<1x1400xf32>
    %sub3A_241 = arith.subf %slice3A_239, %slice3A_240 : vector<1x1400xf32>
    %slice3A_242 = vector.extract_strided_slice %transpose3A_209 {offsets = [23, 0], sizes = [1, 1400], strides = [1, 1]} : vector<24x1400xf32> to vector<1x1400xf32>
    %slice3A_243 = vector.extract_strided_slice %transpose3A_209 {offsets = [22, 0], sizes = [1, 1400], strides = [1, 1]} : vector<24x1400xf32> to vector<1x1400xf32>
    %sub3A_244 = arith.subf %slice3A_242, %slice3A_243 : vector<1x1400xf32>
    %concatenate3A_245 = tpu.concatenate %sub3A, %sub3A_214, %sub3A_217, %sub3A_220, %sub3A_223, %sub3A_226, %sub3A_229, %sub3A_232, %sub3A_235, %sub3A_238, %sub3A_241, %sub3A_244 in 1 : vector<1x1400xf32>, vector<1x1400xf32>, vector<1x1400xf32>, vector<1x1400xf32>, vector<1x1400xf32>, vector<1x1400xf32>, vector<1x1400xf32>, vector<1x1400xf32>, vector<1x1400xf32>, vector<1x1400xf32>, vector<1x1400xf32>, vector<1x1400xf32> -> vector<1x16800xf32>
    %slice3A_246 = vector.extract_strided_slice %get3A_5 {offsets = [0, 0], sizes = [32, 1], strides = [1, 1]} : vector<32x15xf32> to vector<32x1xf32>
    %slice3A_247 = vector.extract_strided_slice %get3A_5 {offsets = [0, 1], sizes = [32, 1], strides = [1, 1]} : vector<32x15xf32> to vector<32x1xf32>
    %slice3A_248 = vector.extract_strided_slice %get3A_5 {offsets = [0, 2], sizes = [32, 1], strides = [1, 1]} : vector<32x15xf32> to vector<32x1xf32>
    %slice3A_249 = vector.extract_strided_slice %get3A_5 {offsets = [0, 3], sizes = [32, 1], strides = [1, 1]} : vector<32x15xf32> to vector<32x1xf32>
    %get3A_250 = arith.constant 0 : index
    %get3A_251 = arith.constant 0 : index
    %get3A_252 = vector.load %arg4[%get3A_250, %get3A_251] : memref<4x16800xf32, #tpu.memory_space<vmem>>, vector<1x16800xf32>
    %get3A_253 = arith.constant 1 : index
    %get3A_254 = arith.constant 0 : index
    %get3A_255 = vector.load %arg4[%get3A_253, %get3A_254] : memref<4x16800xf32, #tpu.memory_space<vmem>>, vector<1x16800xf32>
    %get3A_256 = arith.constant 2 : index
    %get3A_257 = arith.constant 0 : index
    %get3A_258 = vector.load %arg4[%get3A_256, %get3A_257] : memref<4x16800xf32, #tpu.memory_space<vmem>>, vector<1x16800xf32>
    %get3A_259 = arith.constant 3 : index
    %get3A_260 = arith.constant 0 : index
    %get3A_261 = vector.load %arg4[%get3A_259, %get3A_260] : memref<4x16800xf32, #tpu.memory_space<vmem>>, vector<1x16800xf32>
    %mul3A = arith.constant 5.000000e-01 : f32
    %mul3A_262 = vector.broadcast %mul3A : f32 to vector<1x16800xf32>
    %mul3A_263 = arith.mulf %get3A_258, %mul3A_262 : vector<1x16800xf32>
    %sub3A_264 = arith.subf %get3A_252, %mul3A_263 : vector<1x16800xf32>
    %mul3A_265 = arith.constant 5.000000e-01 : f32
    %mul3A_266 = vector.broadcast %mul3A_265 : f32 to vector<1x16800xf32>
    %mul3A_267 = arith.mulf %get3A_261, %mul3A_266 : vector<1x16800xf32>
    %sub3A_268 = arith.subf %get3A_255, %mul3A_267 : vector<1x16800xf32>
    %mul3A_269 = arith.constant 5.000000e-01 : f32
    %mul3A_270 = vector.broadcast %mul3A_269 : f32 to vector<1x16800xf32>
    %mul3A_271 = arith.mulf %get3A_258, %mul3A_270 : vector<1x16800xf32>
    %add3A = arith.addf %get3A_252, %mul3A_271 : vector<1x16800xf32>
    %mul3A_272 = arith.constant 5.000000e-01 : f32
    %mul3A_273 = vector.broadcast %mul3A_272 : f32 to vector<1x16800xf32>
    %mul3A_274 = arith.mulf %get3A_261, %mul3A_273 : vector<1x16800xf32>
    %add3A_275 = arith.addf %get3A_255, %mul3A_274 : vector<1x16800xf32>
    %min3A = vector.broadcast %slice3A_248 : vector<32x1xf32> to vector<32x16800xf32>
    %min3A_276 = vector.broadcast %add3A : vector<1x16800xf32> to vector<32x16800xf32>
    %min3A_277 = arith.minimumf %min3A, %min3A_276 : vector<32x16800xf32>
    %max3A = vector.broadcast %slice3A_246 : vector<32x1xf32> to vector<32x16800xf32>
    %max3A_278 = vector.broadcast %sub3A_264 : vector<1x16800xf32> to vector<32x16800xf32>
    %max3A_279 = arith.maximumf %max3A, %max3A_278 : vector<32x16800xf32>
    %sub3A_280 = arith.subf %min3A_277, %max3A_279 : vector<32x16800xf32>
    %max3A_281 = arith.constant 0.000000e+00 : f32
    %max3A_282 = vector.broadcast %max3A_281 : f32 to vector<32x16800xf32>
    %max3A_283 = arith.maximumf %sub3A_280, %max3A_282 : vector<32x16800xf32>
    %min3A_284 = vector.broadcast %slice3A_249 : vector<32x1xf32> to vector<32x16800xf32>
    %min3A_285 = vector.broadcast %add3A_275 : vector<1x16800xf32> to vector<32x16800xf32>
    %min3A_286 = arith.minimumf %min3A_284, %min3A_285 : vector<32x16800xf32>
    %max3A_287 = vector.broadcast %slice3A_247 : vector<32x1xf32> to vector<32x16800xf32>
    %max3A_288 = vector.broadcast %sub3A_268 : vector<1x16800xf32> to vector<32x16800xf32>
    %max3A_289 = arith.maximumf %max3A_287, %max3A_288 : vector<32x16800xf32>
    %sub3A_290 = arith.subf %min3A_286, %max3A_289 : vector<32x16800xf32>
    %max3A_291 = arith.constant 0.000000e+00 : f32
    %max3A_292 = vector.broadcast %max3A_291 : f32 to vector<32x16800xf32>
    %max3A_293 = arith.maximumf %sub3A_290, %max3A_292 : vector<32x16800xf32>
    %mul3A_294 = arith.mulf %max3A_283, %max3A_293 : vector<32x16800xf32>
    %sub3A_295 = arith.subf %slice3A_248, %slice3A_246 : vector<32x1xf32>
    %sub3A_296 = arith.subf %slice3A_249, %slice3A_247 : vector<32x1xf32>
    %mul3A_297 = arith.mulf %sub3A_295, %sub3A_296 : vector<32x1xf32>
    %mul3A_298 = arith.mulf %get3A_258, %get3A_261 : vector<1x16800xf32>
    %add3A_299 = vector.broadcast %mul3A_297 : vector<32x1xf32> to vector<32x16800xf32>
    %add3A_300 = vector.broadcast %mul3A_298 : vector<1x16800xf32> to vector<32x16800xf32>
    %add3A_301 = arith.addf %add3A_299, %add3A_300 : vector<32x16800xf32>
    %sub3A_302 = arith.subf %add3A_301, %mul3A_294 : vector<32x16800xf32>
    %div3A = arith.divf %mul3A_294, %sub3A_302 : vector<32x16800xf32>
    %reduce_max3A = arith.constant dense<0xFF800000> : vector<16800xf32>
    %reduce_max3A_303 = vector.multi_reduction <maximumf>, %div3A, %reduce_max3A [0] : vector<32x16800xf32> to vector<16800xf32>
    %broadcast_in_dim3A = vector.shape_cast %reduce_max3A_303 : vector<16800xf32> to vector<1x16800xf32>
    %reduce_max3A_304 = arith.constant dense<0xFF800000> : vector<32xf32>
    %reduce_max3A_305 = vector.multi_reduction <maximumf>, %div3A, %reduce_max3A_304 [1] : vector<32x16800xf32> to vector<32xf32>
    %broadcast_in_dim3A_306 = vector.shape_cast %reduce_max3A_305 : vector<32xf32> to vector<32x1xf32>
    %iota3A = tpu.iota {dimensions = array<i32: 0>} : vector<32x16800xi32>
    %get3A_307 = arith.constant 0 : index
    %get3A_308 = arith.constant 0 : index
    %get3A_309 = vector.load %arg5[%get3A_307, %get3A_308] : memref<1x16800xi32, #tpu.memory_space<vmem>>, vector<1x16800xi32>
    %broadcast_in_dim3A_310 = vector.shape_cast %get3A_309 : vector<1x16800xi32> to vector<1x16800xi32>
    %broadcast_in_dim3A_311 = vector.broadcast %broadcast_in_dim3A_310 : vector<1x16800xi32> to vector<32x16800xi32>
    %eq3A_312 = vector.broadcast %broadcast_in_dim3A_306 : vector<32x1xf32> to vector<32x16800xf32>
    %eq3A_313 = arith.cmpf oeq, %div3A, %eq3A_312 : vector<32x16800xf32>
    %jit3A = arith.constant 16800 : i32
    %broadcast_in_dim3A_314 = vector.broadcast %jit3A : i32 to vector<32x16800xi32>
    %select_n3A = arith.select %eq3A_313, %broadcast_in_dim3A_311, %broadcast_in_dim3A_314 : vector<32x16800xi1>, vector<32x16800xi32>
    %reduce_min3A = arith.constant dense<2147483647> : vector<32xi32>
    %reduce_min3A_315 = vector.multi_reduction <minsi>, %select_n3A, %reduce_min3A [1] : vector<32x16800xi32> to vector<32xi32>
    %broadcast_in_dim3A_316 = vector.shape_cast %reduce_min3A_315 : vector<32xi32> to vector<32x1xi32>
    %eq3A_317 = vector.broadcast %broadcast_in_dim3A_316 : vector<32x1xi32> to vector<32x16800xi32>
    %eq3A_318 = arith.cmpi eq, %broadcast_in_dim3A_311, %eq3A_317 : vector<32x16800xi32>
    %jit3A_319 = arith.constant -1 : i32
    %broadcast_in_dim3A_320 = vector.broadcast %jit3A_319 : i32 to vector<32x16800xi32>
    %select_n3A_321 = arith.select %eq3A_318, %iota3A, %broadcast_in_dim3A_320 : vector<32x16800xi1>, vector<32x16800xi32>
    %reduce_max3A_322 = arith.constant dense<-2147483648> : vector<16800xi32>
    %reduce_max3A_323 = vector.multi_reduction <maxsi>, %select_n3A_321, %reduce_max3A_322 [0] : vector<32x16800xi32> to vector<16800xi32>
    %broadcast_in_dim3A_324 = vector.shape_cast %reduce_max3A_323 : vector<16800xi32> to vector<1x16800xi32>
    %ge3A = arith.constant 0 : i32
    %ge3A_325 = vector.broadcast %ge3A : i32 to vector<1x16800xi32>
    %ge3A_326 = arith.cmpi sge, %broadcast_in_dim3A_324, %ge3A_325 : vector<1x16800xi32>
    %ge3A_327 = arith.constant 3.500000e-01 : f32
    %ge3A_328 = vector.broadcast %ge3A_327 : f32 to vector<1x16800xf32>
    %ge3A_329 = arith.cmpf oge, %broadcast_in_dim3A, %ge3A_328 : vector<1x16800xf32>
    %or3A = arith.ori %ge3A_326, %ge3A_329 : vector<1x16800xi1>
    %convert_element_type3A_330 = arith.extui %or3A : vector<1x16800xi1> to vector<1x16800xi32>
    %convert_element_type3A_331 = arith.sitofp %convert_element_type3A_330 : vector<1x16800xi32> to vector<1x16800xf32>
    %eq3A_332 = vector.broadcast %broadcast_in_dim3A_324 : vector<1x16800xi32> to vector<32x16800xi32>
    %eq3A_333 = arith.cmpi eq, %iota3A, %eq3A_332 : vector<32x16800xi32>
    %convert_element_type3A_334 = arith.extui %eq3A_333 : vector<32x16800xi1> to vector<32x16800xi32>
    %convert_element_type3A_335 = arith.sitofp %convert_element_type3A_334 : vector<32x16800xi32> to vector<32x16800xf32>
    %eq3A_336 = vector.broadcast %broadcast_in_dim3A : vector<1x16800xf32> to vector<32x16800xf32>
    %eq3A_337 = arith.cmpf oeq, %div3A, %eq3A_336 : vector<32x16800xf32>
    %convert_element_type3A_338 = arith.extui %eq3A_337 : vector<32x16800xi1> to vector<32x16800xi32>
    %convert_element_type3A_339 = arith.sitofp %convert_element_type3A_338 : vector<32x16800xi32> to vector<32x16800xf32>
    %broadcast_in_dim3A_340 = vector.shape_cast %ge3A_326 : vector<1x16800xi1> to vector<1x16800xi1>
    %broadcast_in_dim3A_341 = vector.broadcast %broadcast_in_dim3A_340 : vector<1x16800xi1> to vector<32x16800xi1>
    %select_n3A_342 = arith.select %broadcast_in_dim3A_341, %convert_element_type3A_335, %convert_element_type3A_339 : vector<32x16800xi1>, vector<32x16800xf32>
    %dot_general3A = arith.constant dense<0.000000e+00> : vector<15x16800xf32>
    %dot_general3A_343 = tpu.matmul %get3A_10, %select_n3A_342, %dot_general3A {dimension_numbers = #tpu.dot_dimension_numbers<[1], [0], [0], [1], [0, 0, 1, 1], [], []>, transpose_lhs_hint = false} : vector<15x32xf32>, vector<32x16800xf32>, vector<15x16800xf32> -> vector<15x16800xf32>
    %slice3A_344 = vector.extract_strided_slice %dot_general3A_343 {offsets = [0, 0], sizes = [1, 16800], strides = [1, 1]} : vector<15x16800xf32> to vector<1x16800xf32>
    %slice3A_345 = vector.extract_strided_slice %dot_general3A_343 {offsets = [1, 0], sizes = [1, 16800], strides = [1, 1]} : vector<15x16800xf32> to vector<1x16800xf32>
    %slice3A_346 = vector.extract_strided_slice %dot_general3A_343 {offsets = [2, 0], sizes = [1, 16800], strides = [1, 1]} : vector<15x16800xf32> to vector<1x16800xf32>
    %slice3A_347 = vector.extract_strided_slice %dot_general3A_343 {offsets = [3, 0], sizes = [1, 16800], strides = [1, 1]} : vector<15x16800xf32> to vector<1x16800xf32>
    %add3A_348 = arith.addf %slice3A_344, %slice3A_346 : vector<1x16800xf32>
    %mul3A_349 = arith.constant 5.000000e-01 : f32
    %mul3A_350 = vector.broadcast %mul3A_349 : f32 to vector<1x16800xf32>
    %mul3A_351 = arith.mulf %add3A_348, %mul3A_350 : vector<1x16800xf32>
    %sub3A_352 = arith.subf %mul3A_351, %get3A_252 : vector<1x16800xf32>
    %mul3A_353 = arith.constant 1.000000e-01 : f32
    %mul3A_354 = vector.broadcast %mul3A_353 : f32 to vector<1x16800xf32>
    %mul3A_355 = arith.mulf %mul3A_354, %get3A_258 : vector<1x16800xf32>
    %div3A_356 = arith.divf %sub3A_352, %mul3A_355 : vector<1x16800xf32>
    %add3A_357 = arith.addf %slice3A_345, %slice3A_347 : vector<1x16800xf32>
    %mul3A_358 = arith.constant 5.000000e-01 : f32
    %mul3A_359 = vector.broadcast %mul3A_358 : f32 to vector<1x16800xf32>
    %mul3A_360 = arith.mulf %add3A_357, %mul3A_359 : vector<1x16800xf32>
    %sub3A_361 = arith.subf %mul3A_360, %get3A_255 : vector<1x16800xf32>
    %mul3A_362 = arith.constant 1.000000e-01 : f32
    %mul3A_363 = vector.broadcast %mul3A_362 : f32 to vector<1x16800xf32>
    %mul3A_364 = arith.mulf %mul3A_363, %get3A_261 : vector<1x16800xf32>
    %div3A_365 = arith.divf %sub3A_361, %mul3A_364 : vector<1x16800xf32>
    %sub3A_366 = arith.subf %slice3A_346, %slice3A_344 : vector<1x16800xf32>
    %div3A_367 = arith.divf %sub3A_366, %get3A_258 : vector<1x16800xf32>
    %log3A = math.log %div3A_367 : vector<1x16800xf32>
    %div3A_368 = arith.constant 2.000000e-01 : f32
    %div3A_369 = vector.broadcast %div3A_368 : f32 to vector<1x16800xf32>
    %div3A_370 = arith.divf %log3A, %div3A_369 : vector<1x16800xf32>
    %sub3A_371 = arith.subf %slice3A_347, %slice3A_345 : vector<1x16800xf32>
    %div3A_372 = arith.divf %sub3A_371, %get3A_261 : vector<1x16800xf32>
    %log3A_373 = math.log %div3A_372 : vector<1x16800xf32>
    %div3A_374 = arith.constant 2.000000e-01 : f32
    %div3A_375 = vector.broadcast %div3A_374 : f32 to vector<1x16800xf32>
    %div3A_376 = arith.divf %log3A_373, %div3A_375 : vector<1x16800xf32>
    %concatenate3A_377 = tpu.concatenate %div3A_356, %div3A_365, %div3A_370, %div3A_376 in 0 : vector<1x16800xf32>, vector<1x16800xf32>, vector<1x16800xf32>, vector<1x16800xf32> -> vector<4x16800xf32>
    %sub3A_378 = arith.subf %concatenate3A_66, %concatenate3A_377 : vector<4x16800xf32>
    %abs3A = math.absf %sub3A_378 : vector<4x16800xf32>
    %lt3A = arith.constant 1.000000e+00 : f32
    %lt3A_379 = vector.broadcast %lt3A : f32 to vector<4x16800xf32>
    %lt3A_380 = arith.cmpf olt, %abs3A, %lt3A_379 : vector<4x16800xf32>
    %mul3A_381 = arith.constant 5.000000e-01 : f32
    %mul3A_382 = vector.broadcast %mul3A_381 : f32 to vector<4x16800xf32>
    %mul3A_383 = arith.mulf %mul3A_382, %sub3A_378 : vector<4x16800xf32>
    %mul3A_384 = arith.mulf %mul3A_383, %sub3A_378 : vector<4x16800xf32>
    %sub3A_385 = arith.constant 5.000000e-01 : f32
    %sub3A_386 = vector.broadcast %sub3A_385 : f32 to vector<4x16800xf32>
    %sub3A_387 = arith.subf %abs3A, %sub3A_386 : vector<4x16800xf32>
    %select_n3A_388 = arith.select %lt3A_380, %mul3A_384, %sub3A_387 : vector<4x16800xi1>, vector<4x16800xf32>
    %mul3A_389 = vector.broadcast %convert_element_type3A_331 : vector<1x16800xf32> to vector<4x16800xf32>
    %mul3A_390 = arith.mulf %select_n3A_388, %mul3A_389 : vector<4x16800xf32>
    %reduce_sum3A = vector.shape_cast %mul3A_390 : vector<4x16800xf32> to vector<1x4x16800xf32>
    %reduce_sum3A_391 = arith.constant dense<0.000000e+00> : vector<1xf32>
    %reduce_sum3A_392 = vector.multi_reduction <add>, %reduce_sum3A, %reduce_sum3A_391 [1, 2] : vector<1x4x16800xf32> to vector<1xf32>
    %reduce_sum3A_393 = vector.shape_cast %reduce_sum3A_392 : vector<1xf32> to vector<1x1x1xf32>
    %reduce_sum3A_394 = vector.extract %reduce_sum3A_393[0, 0, 0] : f32 from vector<1x1x1xf32>
    %slice3A_395 = vector.extract_strided_slice %dot_general3A_343 {offsets = [4, 0], sizes = [1, 16800], strides = [1, 1]} : vector<15x16800xf32> to vector<1x16800xf32>
    %sub3A_396 = arith.subf %slice3A_395, %get3A_252 : vector<1x16800xf32>
    %mul3A_397 = arith.constant 1.000000e-01 : f32
    %mul3A_398 = vector.broadcast %mul3A_397 : f32 to vector<1x16800xf32>
    %mul3A_399 = arith.mulf %mul3A_398, %get3A_258 : vector<1x16800xf32>
    %div3A_400 = arith.divf %sub3A_396, %mul3A_399 : vector<1x16800xf32>
    %slice3A_401 = vector.extract_strided_slice %dot_general3A_343 {offsets = [5, 0], sizes = [1, 16800], strides = [1, 1]} : vector<15x16800xf32> to vector<1x16800xf32>
    %sub3A_402 = arith.subf %slice3A_401, %get3A_255 : vector<1x16800xf32>
    %mul3A_403 = arith.constant 1.000000e-01 : f32
    %mul3A_404 = vector.broadcast %mul3A_403 : f32 to vector<1x16800xf32>
    %mul3A_405 = arith.mulf %mul3A_404, %get3A_261 : vector<1x16800xf32>
    %div3A_406 = arith.divf %sub3A_402, %mul3A_405 : vector<1x16800xf32>
    %slice3A_407 = vector.extract_strided_slice %dot_general3A_343 {offsets = [6, 0], sizes = [1, 16800], strides = [1, 1]} : vector<15x16800xf32> to vector<1x16800xf32>
    %sub3A_408 = arith.subf %slice3A_407, %get3A_252 : vector<1x16800xf32>
    %mul3A_409 = arith.constant 1.000000e-01 : f32
    %mul3A_410 = vector.broadcast %mul3A_409 : f32 to vector<1x16800xf32>
    %mul3A_411 = arith.mulf %mul3A_410, %get3A_258 : vector<1x16800xf32>
    %div3A_412 = arith.divf %sub3A_408, %mul3A_411 : vector<1x16800xf32>
    %slice3A_413 = vector.extract_strided_slice %dot_general3A_343 {offsets = [7, 0], sizes = [1, 16800], strides = [1, 1]} : vector<15x16800xf32> to vector<1x16800xf32>
    %sub3A_414 = arith.subf %slice3A_413, %get3A_255 : vector<1x16800xf32>
    %mul3A_415 = arith.constant 1.000000e-01 : f32
    %mul3A_416 = vector.broadcast %mul3A_415 : f32 to vector<1x16800xf32>
    %mul3A_417 = arith.mulf %mul3A_416, %get3A_261 : vector<1x16800xf32>
    %div3A_418 = arith.divf %sub3A_414, %mul3A_417 : vector<1x16800xf32>
    %slice3A_419 = vector.extract_strided_slice %dot_general3A_343 {offsets = [8, 0], sizes = [1, 16800], strides = [1, 1]} : vector<15x16800xf32> to vector<1x16800xf32>
    %sub3A_420 = arith.subf %slice3A_419, %get3A_252 : vector<1x16800xf32>
    %mul3A_421 = arith.constant 1.000000e-01 : f32
    %mul3A_422 = vector.broadcast %mul3A_421 : f32 to vector<1x16800xf32>
    %mul3A_423 = arith.mulf %mul3A_422, %get3A_258 : vector<1x16800xf32>
    %div3A_424 = arith.divf %sub3A_420, %mul3A_423 : vector<1x16800xf32>
    %slice3A_425 = vector.extract_strided_slice %dot_general3A_343 {offsets = [9, 0], sizes = [1, 16800], strides = [1, 1]} : vector<15x16800xf32> to vector<1x16800xf32>
    %sub3A_426 = arith.subf %slice3A_425, %get3A_255 : vector<1x16800xf32>
    %mul3A_427 = arith.constant 1.000000e-01 : f32
    %mul3A_428 = vector.broadcast %mul3A_427 : f32 to vector<1x16800xf32>
    %mul3A_429 = arith.mulf %mul3A_428, %get3A_261 : vector<1x16800xf32>
    %div3A_430 = arith.divf %sub3A_426, %mul3A_429 : vector<1x16800xf32>
    %slice3A_431 = vector.extract_strided_slice %dot_general3A_343 {offsets = [10, 0], sizes = [1, 16800], strides = [1, 1]} : vector<15x16800xf32> to vector<1x16800xf32>
    %sub3A_432 = arith.subf %slice3A_431, %get3A_252 : vector<1x16800xf32>
    %mul3A_433 = arith.constant 1.000000e-01 : f32
    %mul3A_434 = vector.broadcast %mul3A_433 : f32 to vector<1x16800xf32>
    %mul3A_435 = arith.mulf %mul3A_434, %get3A_258 : vector<1x16800xf32>
    %div3A_436 = arith.divf %sub3A_432, %mul3A_435 : vector<1x16800xf32>
    %slice3A_437 = vector.extract_strided_slice %dot_general3A_343 {offsets = [11, 0], sizes = [1, 16800], strides = [1, 1]} : vector<15x16800xf32> to vector<1x16800xf32>
    %sub3A_438 = arith.subf %slice3A_437, %get3A_255 : vector<1x16800xf32>
    %mul3A_439 = arith.constant 1.000000e-01 : f32
    %mul3A_440 = vector.broadcast %mul3A_439 : f32 to vector<1x16800xf32>
    %mul3A_441 = arith.mulf %mul3A_440, %get3A_261 : vector<1x16800xf32>
    %div3A_442 = arith.divf %sub3A_438, %mul3A_441 : vector<1x16800xf32>
    %slice3A_443 = vector.extract_strided_slice %dot_general3A_343 {offsets = [12, 0], sizes = [1, 16800], strides = [1, 1]} : vector<15x16800xf32> to vector<1x16800xf32>
    %sub3A_444 = arith.subf %slice3A_443, %get3A_252 : vector<1x16800xf32>
    %mul3A_445 = arith.constant 1.000000e-01 : f32
    %mul3A_446 = vector.broadcast %mul3A_445 : f32 to vector<1x16800xf32>
    %mul3A_447 = arith.mulf %mul3A_446, %get3A_258 : vector<1x16800xf32>
    %div3A_448 = arith.divf %sub3A_444, %mul3A_447 : vector<1x16800xf32>
    %slice3A_449 = vector.extract_strided_slice %dot_general3A_343 {offsets = [13, 0], sizes = [1, 16800], strides = [1, 1]} : vector<15x16800xf32> to vector<1x16800xf32>
    %sub3A_450 = arith.subf %slice3A_449, %get3A_255 : vector<1x16800xf32>
    %mul3A_451 = arith.constant 1.000000e-01 : f32
    %mul3A_452 = vector.broadcast %mul3A_451 : f32 to vector<1x16800xf32>
    %mul3A_453 = arith.mulf %mul3A_452, %get3A_261 : vector<1x16800xf32>
    %div3A_454 = arith.divf %sub3A_450, %mul3A_453 : vector<1x16800xf32>
    %concatenate3A_455 = tpu.concatenate %div3A_400, %div3A_406, %div3A_412, %div3A_418, %div3A_424, %div3A_430, %div3A_436, %div3A_442, %div3A_448, %div3A_454 in 0 : vector<1x16800xf32>, vector<1x16800xf32>, vector<1x16800xf32>, vector<1x16800xf32>, vector<1x16800xf32>, vector<1x16800xf32>, vector<1x16800xf32>, vector<1x16800xf32>, vector<1x16800xf32>, vector<1x16800xf32> -> vector<10x16800xf32>
    %sub3A_456 = arith.subf %concatenate3A_203, %concatenate3A_455 : vector<10x16800xf32>
    %abs3A_457 = math.absf %sub3A_456 : vector<10x16800xf32>
    %lt3A_458 = arith.constant 1.000000e+00 : f32
    %lt3A_459 = vector.broadcast %lt3A_458 : f32 to vector<10x16800xf32>
    %lt3A_460 = arith.cmpf olt, %abs3A_457, %lt3A_459 : vector<10x16800xf32>
    %mul3A_461 = arith.constant 5.000000e-01 : f32
    %mul3A_462 = vector.broadcast %mul3A_461 : f32 to vector<10x16800xf32>
    %mul3A_463 = arith.mulf %mul3A_462, %sub3A_456 : vector<10x16800xf32>
    %mul3A_464 = arith.mulf %mul3A_463, %sub3A_456 : vector<10x16800xf32>
    %sub3A_465 = arith.constant 5.000000e-01 : f32
    %sub3A_466 = vector.broadcast %sub3A_465 : f32 to vector<10x16800xf32>
    %sub3A_467 = arith.subf %abs3A_457, %sub3A_466 : vector<10x16800xf32>
    %select_n3A_468 = arith.select %lt3A_460, %mul3A_464, %sub3A_467 : vector<10x16800xi1>, vector<10x16800xf32>
    %mul3A_469 = vector.broadcast %convert_element_type3A_331 : vector<1x16800xf32> to vector<10x16800xf32>
    %mul3A_470 = arith.mulf %select_n3A_468, %mul3A_469 : vector<10x16800xf32>
    %reduce_sum3A_471 = vector.shape_cast %mul3A_470 : vector<10x16800xf32> to vector<1x10x16800xf32>
    %reduce_sum3A_472 = arith.constant dense<0.000000e+00> : vector<1xf32>
    %reduce_sum3A_473 = vector.multi_reduction <add>, %reduce_sum3A_471, %reduce_sum3A_472 [1, 2] : vector<1x10x16800xf32> to vector<1xf32>
    %reduce_sum3A_474 = vector.shape_cast %reduce_sum3A_473 : vector<1xf32> to vector<1x1x1xf32>
    %reduce_sum3A_475 = vector.extract %reduce_sum3A_474[0, 0, 0] : f32 from vector<1x1x1xf32>
    %reduce_sum3A_476 = vector.shape_cast %convert_element_type3A_331 : vector<1x16800xf32> to vector<1x1x16800xf32>
    %reduce_sum3A_477 = arith.constant dense<0.000000e+00> : vector<1xf32>
    %reduce_sum3A_478 = vector.multi_reduction <add>, %reduce_sum3A_476, %reduce_sum3A_477 [1, 2] : vector<1x1x16800xf32> to vector<1xf32>
    %reduce_sum3A_479 = vector.shape_cast %reduce_sum3A_478 : vector<1xf32> to vector<1x1x1xf32>
    %reduce_sum3A_480 = vector.extract %reduce_sum3A_479[0, 0, 0] : f32 from vector<1x1x1xf32>
    %abs3A_481 = math.absf %concatenate3A_245 : vector<1x16800xf32>
    %neg3A = arith.constant 0.000000e+00 : f32
    %neg3A_482 = vector.broadcast %neg3A : f32 to vector<1x16800xf32>
    %neg3A_483 = arith.subf %neg3A_482, %abs3A_481 : vector<1x16800xf32>
    %exp3A = math.exp %neg3A_483 : vector<1x16800xf32>
    %log1p3A = math.log1p %exp3A : vector<1x16800xf32>
    %max3A_484 = arith.constant 0.000000e+00 : f32
    %max3A_485 = vector.broadcast %max3A_484 : f32 to vector<1x16800xf32>
    %max3A_486 = arith.maximumf %concatenate3A_245, %max3A_485 : vector<1x16800xf32>
    %add3A_487 = arith.addf %log1p3A, %max3A_486 : vector<1x16800xf32>
    %sub3A_488 = arith.subf %add3A_487, %concatenate3A_245 : vector<1x16800xf32>
    %mul3A_489 = arith.mulf %convert_element_type3A_331, %sub3A_488 : vector<1x16800xf32>
    %reduce_sum3A_490 = vector.shape_cast %mul3A_489 : vector<1x16800xf32> to vector<1x1x16800xf32>
    %reduce_sum3A_491 = arith.constant dense<0.000000e+00> : vector<1xf32>
    %reduce_sum3A_492 = vector.multi_reduction <add>, %reduce_sum3A_490, %reduce_sum3A_491 [1, 2] : vector<1x1x16800xf32> to vector<1xf32>
    %reduce_sum3A_493 = vector.shape_cast %reduce_sum3A_492 : vector<1xf32> to vector<1x1x1xf32>
    %reduce_sum3A_494 = vector.extract %reduce_sum3A_493[0, 0, 0] : f32 from vector<1x1x1xf32>
    %sub3A_495 = arith.constant 1.000000e+00 : f32
    %sub3A_496 = vector.broadcast %sub3A_495 : f32 to vector<1x16800xf32>
    %sub3A_497 = arith.subf %sub3A_496, %convert_element_type3A_331 : vector<1x16800xf32>
    %mul3A_498 = arith.mulf %sub3A_497, %add3A_487 : vector<1x16800xf32>
    %swap3A = arith.constant 0 : index
    %swap3A_499 = arith.constant 0 : index
    %swap3A_500 = arith.constant 0 : index
    %swap3A_501 = vector.load %arg8[%swap3A, %swap3A_499, %swap3A_500] : memref<2x1x16800xf32, #tpu.memory_space<vmem>>, vector<1x1x16800xf32>
    %swap3A_502 = vector.shape_cast %swap3A_501 : vector<1x1x16800xf32> to vector<1x16800xf32>
    %swap3A_503 = vector.shape_cast %mul3A_498 : vector<1x16800xf32> to vector<1x1x16800xf32>
    tpu.vector_store %arg8[%swap3A, %swap3A_499, %swap3A_500], %swap3A_503 {strides = array<i32>} : memref<2x1x16800xf32, #tpu.memory_space<vmem>>, vector<1x1x16800xf32>,
    %reduce_max3A_504 = vector.shape_cast %mul3A_498 : vector<1x16800xf32> to vector<1x1x16800xf32>
    %reduce_max3A_505 = arith.constant dense<0xFF800000> : vector<1xf32>
    %reduce_max3A_506 = vector.multi_reduction <maximumf>, %reduce_max3A_504, %reduce_max3A_505 [1, 2] : vector<1x1x16800xf32> to vector<1xf32>
    %reduce_max3A_507 = vector.shape_cast %reduce_max3A_506 : vector<1xf32> to vector<1x1x1xf32>
    %reduce_max3A_508 = vector.extract %reduce_max3A_507[0, 0, 0] : f32 from vector<1x1x1xf32>
    %broadcast_in_dim3A_509 = vector.broadcast %reduce_sum3A_480 : f32 to vector<1x128xf32>
    %broadcast_in_dim3A_510 = vector.broadcast %reduce_max3A_508 : f32 to vector<1x128xf32>
    %concatenate3A_511 = tpu.concatenate %broadcast_in_dim3A_509, %broadcast_in_dim3A_510 in 1 : vector<1x128xf32>, vector<1x128xf32> -> vector<1x256xf32>
    %swap3A_512 = arith.constant 0 : index
    %swap3A_513 = arith.constant 0 : index
    %swap3A_514 = arith.constant 0 : index
    %swap3A_515 = vector.load %arg9[%swap3A_512, %swap3A_513, %swap3A_514] : memref<2x1x256xf32, #tpu.memory_space<vmem>>, vector<1x1x256xf32>
    %swap3A_516 = vector.shape_cast %swap3A_515 : vector<1x1x256xf32> to vector<1x256xf32>
    %swap3A_517 = vector.shape_cast %concatenate3A_511 : vector<1x256xf32> to vector<1x1x256xf32>
    tpu.vector_store %arg9[%swap3A_512, %swap3A_513, %swap3A_514], %swap3A_517 {strides = array<i32>} : memref<2x1x256xf32, #tpu.memory_space<vmem>>, vector<1x1x256xf32>,
    %get3A_518 = arith.constant 0 : index
    %get3A_519 = memref.load %arg14[%get3A_518] : memref<4xf32, #tpu.memory_space<smem>>
    %add3A_520 = arith.addf %get3A_519, %reduce_sum3A_494 : f32
    %swap3A_521 = arith.constant 0 : index
    %swap3A_522 = memref.load %arg14[%swap3A_521] : memref<4xf32, #tpu.memory_space<smem>>
    memref.store %add3A_520, %arg14[%swap3A_521] : memref<4xf32, #tpu.memory_space<smem>>
    %get3A_523 = arith.constant 1 : index
    %get3A_524 = memref.load %arg14[%get3A_523] : memref<4xf32, #tpu.memory_space<smem>>
    %add3A_525 = arith.addf %get3A_524, %reduce_sum3A_394 : f32
    %swap3A_526 = arith.constant 1 : index
    %swap3A_527 = memref.load %arg14[%swap3A_526] : memref<4xf32, #tpu.memory_space<smem>>
    memref.store %add3A_525, %arg14[%swap3A_526] : memref<4xf32, #tpu.memory_space<smem>>
    %get3A_528 = arith.constant 2 : index
    %get3A_529 = memref.load %arg14[%get3A_528] : memref<4xf32, #tpu.memory_space<smem>>
    %add3A_530 = arith.addf %get3A_529, %reduce_sum3A_475 : f32
    %swap3A_531 = arith.constant 2 : index
    %swap3A_532 = memref.load %arg14[%swap3A_531] : memref<4xf32, #tpu.memory_space<smem>>
    memref.store %add3A_530, %arg14[%swap3A_531] : memref<4xf32, #tpu.memory_space<smem>>
    %get3A_533 = arith.constant 3 : index
    %get3A_534 = memref.load %arg14[%get3A_533] : memref<4xf32, #tpu.memory_space<smem>>
    %add3A_535 = arith.addf %get3A_534, %reduce_sum3A_480 : f32
    %swap3A_536 = arith.constant 3 : index
    %swap3A_537 = memref.load %arg14[%swap3A_536] : memref<4xf32, #tpu.memory_space<smem>>
    memref.store %add3A_535, %arg14[%swap3A_536] : memref<4xf32, #tpu.memory_space<smem>>
    %get3A_538 = arith.constant 1 : index
    %get3A_539 = arith.constant 0 : index
    %get3A_540 = arith.constant 0 : index
    %get3A_541 = vector.load %arg6[%get3A_538, %get3A_539, %get3A_540] : memref<2x32x15xf32, #tpu.memory_space<vmem>>, vector<1x32x15xf32>
    %get3A_542 = vector.shape_cast %get3A_541 : vector<1x32x15xf32> to vector<32x15xf32>
    %get3A_543 = arith.constant 1 : index
    %get3A_544 = arith.constant 0 : index
    %get3A_545 = arith.constant 0 : index
    %get3A_546 = vector.load %arg7[%get3A_543, %get3A_544, %get3A_545] : memref<2x15x32xf32, #tpu.memory_space<vmem>>, vector<1x15x32xf32>
    %get3A_547 = vector.shape_cast %get3A_546 : vector<1x15x32xf32> to vector<15x32xf32>
    %get3A_548 = arith.constant 1 : index
    %get3A_549 = arith.constant 0 : index
    %get3A_550 = arith.constant 0 : index
    %get3A_551 = vector.load %arg2[%get3A_548, %get3A_549, %get3A_550] : memref<2x1400x48xf32, #tpu.memory_space<vmem>>, vector<1x1400x48xf32>
    %get3A_552 = vector.shape_cast %get3A_551 : vector<1x1400x48xf32> to vector<1400x48xf32>
    %transpose3A_553 = tpu.transpose %get3A_552, [1, 0] : vector<1400x48xf32> -> vector<48x1400xf32>
    %slice3A_554 = vector.extract_strided_slice %transpose3A_553 {offsets = [0, 0], sizes = [1, 1400], strides = [1, 1]} : vector<48x1400xf32> to vector<1x1400xf32>
    %slice3A_555 = vector.extract_strided_slice %transpose3A_553 {offsets = [4, 0], sizes = [1, 1400], strides = [1, 1]} : vector<48x1400xf32> to vector<1x1400xf32>
    %slice3A_556 = vector.extract_strided_slice %transpose3A_553 {offsets = [8, 0], sizes = [1, 1400], strides = [1, 1]} : vector<48x1400xf32> to vector<1x1400xf32>
    %slice3A_557 = vector.extract_strided_slice %transpose3A_553 {offsets = [12, 0], sizes = [1, 1400], strides = [1, 1]} : vector<48x1400xf32> to vector<1x1400xf32>
    %slice3A_558 = vector.extract_strided_slice %transpose3A_553 {offsets = [16, 0], sizes = [1, 1400], strides = [1, 1]} : vector<48x1400xf32> to vector<1x1400xf32>
    %slice3A_559 = vector.extract_strided_slice %transpose3A_553 {offsets = [20, 0], sizes = [1, 1400], strides = [1, 1]} : vector<48x1400xf32> to vector<1x1400xf32>
    %slice3A_560 = vector.extract_strided_slice %transpose3A_553 {offsets = [24, 0], sizes = [1, 1400], strides = [1, 1]} : vector<48x1400xf32> to vector<1x1400xf32>
    %slice3A_561 = vector.extract_strided_slice %transpose3A_553 {offsets = [28, 0], sizes = [1, 1400], strides = [1, 1]} : vector<48x1400xf32> to vector<1x1400xf32>
    %slice3A_562 = vector.extract_strided_slice %transpose3A_553 {offsets = [32, 0], sizes = [1, 1400], strides = [1, 1]} : vector<48x1400xf32> to vector<1x1400xf32>
    %slice3A_563 = vector.extract_strided_slice %transpose3A_553 {offsets = [36, 0], sizes = [1, 1400], strides = [1, 1]} : vector<48x1400xf32> to vector<1x1400xf32>
    %slice3A_564 = vector.extract_strided_slice %transpose3A_553 {offsets = [40, 0], sizes = [1, 1400], strides = [1, 1]} : vector<48x1400xf32> to vector<1x1400xf32>
    %slice3A_565 = vector.extract_strided_slice %transpose3A_553 {offsets = [44, 0], sizes = [1, 1400], strides = [1, 1]} : vector<48x1400xf32> to vector<1x1400xf32>
    %concatenate3A_566 = tpu.concatenate %slice3A_554, %slice3A_555, %slice3A_556, %slice3A_557, %slice3A_558, %slice3A_559, %slice3A_560, %slice3A_561, %slice3A_562, %slice3A_563, %slice3A_564, %slice3A_565 in 1 : vector<1x1400xf32>, vector<1x1400xf32>, vector<1x1400xf32>, vector<1x1400xf32>, vector<1x1400xf32>, vector<1x1400xf32>, vector<1x1400xf32>, vector<1x1400xf32>, vector<1x1400xf32>, vector<1x1400xf32>, vector<1x1400xf32>, vector<1x1400xf32> -> vector<1x16800xf32>
    %slice3A_567 = vector.extract_strided_slice %transpose3A_553 {offsets = [1, 0], sizes = [1, 1400], strides = [1, 1]} : vector<48x1400xf32> to vector<1x1400xf32>
    %slice3A_568 = vector.extract_strided_slice %transpose3A_553 {offsets = [5, 0], sizes = [1, 1400], strides = [1, 1]} : vector<48x1400xf32> to vector<1x1400xf32>
    %slice3A_569 = vector.extract_strided_slice %transpose3A_553 {offsets = [9, 0], sizes = [1, 1400], strides = [1, 1]} : vector<48x1400xf32> to vector<1x1400xf32>
    %slice3A_570 = vector.extract_strided_slice %transpose3A_553 {offsets = [13, 0], sizes = [1, 1400], strides = [1, 1]} : vector<48x1400xf32> to vector<1x1400xf32>
    %slice3A_571 = vector.extract_strided_slice %transpose3A_553 {offsets = [17, 0], sizes = [1, 1400], strides = [1, 1]} : vector<48x1400xf32> to vector<1x1400xf32>
    %slice3A_572 = vector.extract_strided_slice %transpose3A_553 {offsets = [21, 0], sizes = [1, 1400], strides = [1, 1]} : vector<48x1400xf32> to vector<1x1400xf32>
    %slice3A_573 = vector.extract_strided_slice %transpose3A_553 {offsets = [25, 0], sizes = [1, 1400], strides = [1, 1]} : vector<48x1400xf32> to vector<1x1400xf32>
    %slice3A_574 = vector.extract_strided_slice %transpose3A_553 {offsets = [29, 0], sizes = [1, 1400], strides = [1, 1]} : vector<48x1400xf32> to vector<1x1400xf32>
    %slice3A_575 = vector.extract_strided_slice %transpose3A_553 {offsets = [33, 0], sizes = [1, 1400], strides = [1, 1]} : vector<48x1400xf32> to vector<1x1400xf32>
    %slice3A_576 = vector.extract_strided_slice %transpose3A_553 {offsets = [37, 0], sizes = [1, 1400], strides = [1, 1]} : vector<48x1400xf32> to vector<1x1400xf32>
    %slice3A_577 = vector.extract_strided_slice %transpose3A_553 {offsets = [41, 0], sizes = [1, 1400], strides = [1, 1]} : vector<48x1400xf32> to vector<1x1400xf32>
    %slice3A_578 = vector.extract_strided_slice %transpose3A_553 {offsets = [45, 0], sizes = [1, 1400], strides = [1, 1]} : vector<48x1400xf32> to vector<1x1400xf32>
    %concatenate3A_579 = tpu.concatenate %slice3A_567, %slice3A_568, %slice3A_569, %slice3A_570, %slice3A_571, %slice3A_572, %slice3A_573, %slice3A_574, %slice3A_575, %slice3A_576, %slice3A_577, %slice3A_578 in 1 : vector<1x1400xf32>, vector<1x1400xf32>, vector<1x1400xf32>, vector<1x1400xf32>, vector<1x1400xf32>, vector<1x1400xf32>, vector<1x1400xf32>, vector<1x1400xf32>, vector<1x1400xf32>, vector<1x1400xf32>, vector<1x1400xf32>, vector<1x1400xf32> -> vector<1x16800xf32>
    %slice3A_580 = vector.extract_strided_slice %transpose3A_553 {offsets = [2, 0], sizes = [1, 1400], strides = [1, 1]} : vector<48x1400xf32> to vector<1x1400xf32>
    %slice3A_581 = vector.extract_strided_slice %transpose3A_553 {offsets = [6, 0], sizes = [1, 1400], strides = [1, 1]} : vector<48x1400xf32> to vector<1x1400xf32>
    %slice3A_582 = vector.extract_strided_slice %transpose3A_553 {offsets = [10, 0], sizes = [1, 1400], strides = [1, 1]} : vector<48x1400xf32> to vector<1x1400xf32>
    %slice3A_583 = vector.extract_strided_slice %transpose3A_553 {offsets = [14, 0], sizes = [1, 1400], strides = [1, 1]} : vector<48x1400xf32> to vector<1x1400xf32>
    %slice3A_584 = vector.extract_strided_slice %transpose3A_553 {offsets = [18, 0], sizes = [1, 1400], strides = [1, 1]} : vector<48x1400xf32> to vector<1x1400xf32>
    %slice3A_585 = vector.extract_strided_slice %transpose3A_553 {offsets = [22, 0], sizes = [1, 1400], strides = [1, 1]} : vector<48x1400xf32> to vector<1x1400xf32>
    %slice3A_586 = vector.extract_strided_slice %transpose3A_553 {offsets = [26, 0], sizes = [1, 1400], strides = [1, 1]} : vector<48x1400xf32> to vector<1x1400xf32>
    %slice3A_587 = vector.extract_strided_slice %transpose3A_553 {offsets = [30, 0], sizes = [1, 1400], strides = [1, 1]} : vector<48x1400xf32> to vector<1x1400xf32>
    %slice3A_588 = vector.extract_strided_slice %transpose3A_553 {offsets = [34, 0], sizes = [1, 1400], strides = [1, 1]} : vector<48x1400xf32> to vector<1x1400xf32>
    %slice3A_589 = vector.extract_strided_slice %transpose3A_553 {offsets = [38, 0], sizes = [1, 1400], strides = [1, 1]} : vector<48x1400xf32> to vector<1x1400xf32>
    %slice3A_590 = vector.extract_strided_slice %transpose3A_553 {offsets = [42, 0], sizes = [1, 1400], strides = [1, 1]} : vector<48x1400xf32> to vector<1x1400xf32>
    %slice3A_591 = vector.extract_strided_slice %transpose3A_553 {offsets = [46, 0], sizes = [1, 1400], strides = [1, 1]} : vector<48x1400xf32> to vector<1x1400xf32>
    %concatenate3A_592 = tpu.concatenate %slice3A_580, %slice3A_581, %slice3A_582, %slice3A_583, %slice3A_584, %slice3A_585, %slice3A_586, %slice3A_587, %slice3A_588, %slice3A_589, %slice3A_590, %slice3A_591 in 1 : vector<1x1400xf32>, vector<1x1400xf32>, vector<1x1400xf32>, vector<1x1400xf32>, vector<1x1400xf32>, vector<1x1400xf32>, vector<1x1400xf32>, vector<1x1400xf32>, vector<1x1400xf32>, vector<1x1400xf32>, vector<1x1400xf32>, vector<1x1400xf32> -> vector<1x16800xf32>
    %slice3A_593 = vector.extract_strided_slice %transpose3A_553 {offsets = [3, 0], sizes = [1, 1400], strides = [1, 1]} : vector<48x1400xf32> to vector<1x1400xf32>
    %slice3A_594 = vector.extract_strided_slice %transpose3A_553 {offsets = [7, 0], sizes = [1, 1400], strides = [1, 1]} : vector<48x1400xf32> to vector<1x1400xf32>
    %slice3A_595 = vector.extract_strided_slice %transpose3A_553 {offsets = [11, 0], sizes = [1, 1400], strides = [1, 1]} : vector<48x1400xf32> to vector<1x1400xf32>
    %slice3A_596 = vector.extract_strided_slice %transpose3A_553 {offsets = [15, 0], sizes = [1, 1400], strides = [1, 1]} : vector<48x1400xf32> to vector<1x1400xf32>
    %slice3A_597 = vector.extract_strided_slice %transpose3A_553 {offsets = [19, 0], sizes = [1, 1400], strides = [1, 1]} : vector<48x1400xf32> to vector<1x1400xf32>
    %slice3A_598 = vector.extract_strided_slice %transpose3A_553 {offsets = [23, 0], sizes = [1, 1400], strides = [1, 1]} : vector<48x1400xf32> to vector<1x1400xf32>
    %slice3A_599 = vector.extract_strided_slice %transpose3A_553 {offsets = [27, 0], sizes = [1, 1400], strides = [1, 1]} : vector<48x1400xf32> to vector<1x1400xf32>
    %slice3A_600 = vector.extract_strided_slice %transpose3A_553 {offsets = [31, 0], sizes = [1, 1400], strides = [1, 1]} : vector<48x1400xf32> to vector<1x1400xf32>
    %slice3A_601 = vector.extract_strided_slice %transpose3A_553 {offsets = [35, 0], sizes = [1, 1400], strides = [1, 1]} : vector<48x1400xf32> to vector<1x1400xf32>
    %slice3A_602 = vector.extract_strided_slice %transpose3A_553 {offsets = [39, 0], sizes = [1, 1400], strides = [1, 1]} : vector<48x1400xf32> to vector<1x1400xf32>
    %slice3A_603 = vector.extract_strided_slice %transpose3A_553 {offsets = [43, 0], sizes = [1, 1400], strides = [1, 1]} : vector<48x1400xf32> to vector<1x1400xf32>
    %slice3A_604 = vector.extract_strided_slice %transpose3A_553 {offsets = [47, 0], sizes = [1, 1400], strides = [1, 1]} : vector<48x1400xf32> to vector<1x1400xf32>
    %concatenate3A_605 = tpu.concatenate %slice3A_593, %slice3A_594, %slice3A_595, %slice3A_596, %slice3A_597, %slice3A_598, %slice3A_599, %slice3A_600, %slice3A_601, %slice3A_602, %slice3A_603, %slice3A_604 in 1 : vector<1x1400xf32>, vector<1x1400xf32>, vector<1x1400xf32>, vector<1x1400xf32>, vector<1x1400xf32>, vector<1x1400xf32>, vector<1x1400xf32>, vector<1x1400xf32>, vector<1x1400xf32>, vector<1x1400xf32>, vector<1x1400xf32>, vector<1x1400xf32> -> vector<1x16800xf32>
    %concatenate3A_606 = tpu.concatenate %concatenate3A_566, %concatenate3A_579, %concatenate3A_592, %concatenate3A_605 in 0 : vector<1x16800xf32>, vector<1x16800xf32>, vector<1x16800xf32>, vector<1x16800xf32> -> vector<4x16800xf32>
    %get3A_607 = arith.constant 1 : index
    %get3A_608 = arith.constant 0 : index
    %get3A_609 = arith.constant 0 : index
    %get3A_610 = vector.load %arg3[%get3A_607, %get3A_608, %get3A_609] : memref<2x1400x120xf32, #tpu.memory_space<vmem>>, vector<1x1400x120xf32>
    %get3A_611 = vector.shape_cast %get3A_610 : vector<1x1400x120xf32> to vector<1400x120xf32>
    %transpose3A_612 = tpu.transpose %get3A_611, [1, 0] : vector<1400x120xf32> -> vector<120x1400xf32>
    %slice3A_613 = vector.extract_strided_slice %transpose3A_612 {offsets = [0, 0], sizes = [1, 1400], strides = [1, 1]} : vector<120x1400xf32> to vector<1x1400xf32>
    %slice3A_614 = vector.extract_strided_slice %transpose3A_612 {offsets = [10, 0], sizes = [1, 1400], strides = [1, 1]} : vector<120x1400xf32> to vector<1x1400xf32>
    %slice3A_615 = vector.extract_strided_slice %transpose3A_612 {offsets = [20, 0], sizes = [1, 1400], strides = [1, 1]} : vector<120x1400xf32> to vector<1x1400xf32>
    %slice3A_616 = vector.extract_strided_slice %transpose3A_612 {offsets = [30, 0], sizes = [1, 1400], strides = [1, 1]} : vector<120x1400xf32> to vector<1x1400xf32>
    %slice3A_617 = vector.extract_strided_slice %transpose3A_612 {offsets = [40, 0], sizes = [1, 1400], strides = [1, 1]} : vector<120x1400xf32> to vector<1x1400xf32>
    %slice3A_618 = vector.extract_strided_slice %transpose3A_612 {offsets = [50, 0], sizes = [1, 1400], strides = [1, 1]} : vector<120x1400xf32> to vector<1x1400xf32>
    %slice3A_619 = vector.extract_strided_slice %transpose3A_612 {offsets = [60, 0], sizes = [1, 1400], strides = [1, 1]} : vector<120x1400xf32> to vector<1x1400xf32>
    %slice3A_620 = vector.extract_strided_slice %transpose3A_612 {offsets = [70, 0], sizes = [1, 1400], strides = [1, 1]} : vector<120x1400xf32> to vector<1x1400xf32>
    %slice3A_621 = vector.extract_strided_slice %transpose3A_612 {offsets = [80, 0], sizes = [1, 1400], strides = [1, 1]} : vector<120x1400xf32> to vector<1x1400xf32>
    %slice3A_622 = vector.extract_strided_slice %transpose3A_612 {offsets = [90, 0], sizes = [1, 1400], strides = [1, 1]} : vector<120x1400xf32> to vector<1x1400xf32>
    %slice3A_623 = vector.extract_strided_slice %transpose3A_612 {offsets = [100, 0], sizes = [1, 1400], strides = [1, 1]} : vector<120x1400xf32> to vector<1x1400xf32>
    %slice3A_624 = vector.extract_strided_slice %transpose3A_612 {offsets = [110, 0], sizes = [1, 1400], strides = [1, 1]} : vector<120x1400xf32> to vector<1x1400xf32>
    %concatenate3A_625 = tpu.concatenate %slice3A_613, %slice3A_614, %slice3A_615, %slice3A_616, %slice3A_617, %slice3A_618, %slice3A_619, %slice3A_620, %slice3A_621, %slice3A_622, %slice3A_623, %slice3A_624 in 1 : vector<1x1400xf32>, vector<1x1400xf32>, vector<1x1400xf32>, vector<1x1400xf32>, vector<1x1400xf32>, vector<1x1400xf32>, vector<1x1400xf32>, vector<1x1400xf32>, vector<1x1400xf32>, vector<1x1400xf32>, vector<1x1400xf32>, vector<1x1400xf32> -> vector<1x16800xf32>
    %slice3A_626 = vector.extract_strided_slice %transpose3A_612 {offsets = [1, 0], sizes = [1, 1400], strides = [1, 1]} : vector<120x1400xf32> to vector<1x1400xf32>
    %slice3A_627 = vector.extract_strided_slice %transpose3A_612 {offsets = [11, 0], sizes = [1, 1400], strides = [1, 1]} : vector<120x1400xf32> to vector<1x1400xf32>
    %slice3A_628 = vector.extract_strided_slice %transpose3A_612 {offsets = [21, 0], sizes = [1, 1400], strides = [1, 1]} : vector<120x1400xf32> to vector<1x1400xf32>
    %slice3A_629 = vector.extract_strided_slice %transpose3A_612 {offsets = [31, 0], sizes = [1, 1400], strides = [1, 1]} : vector<120x1400xf32> to vector<1x1400xf32>
    %slice3A_630 = vector.extract_strided_slice %transpose3A_612 {offsets = [41, 0], sizes = [1, 1400], strides = [1, 1]} : vector<120x1400xf32> to vector<1x1400xf32>
    %slice3A_631 = vector.extract_strided_slice %transpose3A_612 {offsets = [51, 0], sizes = [1, 1400], strides = [1, 1]} : vector<120x1400xf32> to vector<1x1400xf32>
    %slice3A_632 = vector.extract_strided_slice %transpose3A_612 {offsets = [61, 0], sizes = [1, 1400], strides = [1, 1]} : vector<120x1400xf32> to vector<1x1400xf32>
    %slice3A_633 = vector.extract_strided_slice %transpose3A_612 {offsets = [71, 0], sizes = [1, 1400], strides = [1, 1]} : vector<120x1400xf32> to vector<1x1400xf32>
    %slice3A_634 = vector.extract_strided_slice %transpose3A_612 {offsets = [81, 0], sizes = [1, 1400], strides = [1, 1]} : vector<120x1400xf32> to vector<1x1400xf32>
    %slice3A_635 = vector.extract_strided_slice %transpose3A_612 {offsets = [91, 0], sizes = [1, 1400], strides = [1, 1]} : vector<120x1400xf32> to vector<1x1400xf32>
    %slice3A_636 = vector.extract_strided_slice %transpose3A_612 {offsets = [101, 0], sizes = [1, 1400], strides = [1, 1]} : vector<120x1400xf32> to vector<1x1400xf32>
    %slice3A_637 = vector.extract_strided_slice %transpose3A_612 {offsets = [111, 0], sizes = [1, 1400], strides = [1, 1]} : vector<120x1400xf32> to vector<1x1400xf32>
    %concatenate3A_638 = tpu.concatenate %slice3A_626, %slice3A_627, %slice3A_628, %slice3A_629, %slice3A_630, %slice3A_631, %slice3A_632, %slice3A_633, %slice3A_634, %slice3A_635, %slice3A_636, %slice3A_637 in 1 : vector<1x1400xf32>, vector<1x1400xf32>, vector<1x1400xf32>, vector<1x1400xf32>, vector<1x1400xf32>, vector<1x1400xf32>, vector<1x1400xf32>, vector<1x1400xf32>, vector<1x1400xf32>, vector<1x1400xf32>, vector<1x1400xf32>, vector<1x1400xf32> -> vector<1x16800xf32>
    %slice3A_639 = vector.extract_strided_slice %transpose3A_612 {offsets = [2, 0], sizes = [1, 1400], strides = [1, 1]} : vector<120x1400xf32> to vector<1x1400xf32>
    %slice3A_640 = vector.extract_strided_slice %transpose3A_612 {offsets = [12, 0], sizes = [1, 1400], strides = [1, 1]} : vector<120x1400xf32> to vector<1x1400xf32>
    %slice3A_641 = vector.extract_strided_slice %transpose3A_612 {offsets = [22, 0], sizes = [1, 1400], strides = [1, 1]} : vector<120x1400xf32> to vector<1x1400xf32>
    %slice3A_642 = vector.extract_strided_slice %transpose3A_612 {offsets = [32, 0], sizes = [1, 1400], strides = [1, 1]} : vector<120x1400xf32> to vector<1x1400xf32>
    %slice3A_643 = vector.extract_strided_slice %transpose3A_612 {offsets = [42, 0], sizes = [1, 1400], strides = [1, 1]} : vector<120x1400xf32> to vector<1x1400xf32>
    %slice3A_644 = vector.extract_strided_slice %transpose3A_612 {offsets = [52, 0], sizes = [1, 1400], strides = [1, 1]} : vector<120x1400xf32> to vector<1x1400xf32>
    %slice3A_645 = vector.extract_strided_slice %transpose3A_612 {offsets = [62, 0], sizes = [1, 1400], strides = [1, 1]} : vector<120x1400xf32> to vector<1x1400xf32>
    %slice3A_646 = vector.extract_strided_slice %transpose3A_612 {offsets = [72, 0], sizes = [1, 1400], strides = [1, 1]} : vector<120x1400xf32> to vector<1x1400xf32>
    %slice3A_647 = vector.extract_strided_slice %transpose3A_612 {offsets = [82, 0], sizes = [1, 1400], strides = [1, 1]} : vector<120x1400xf32> to vector<1x1400xf32>
    %slice3A_648 = vector.extract_strided_slice %transpose3A_612 {offsets = [92, 0], sizes = [1, 1400], strides = [1, 1]} : vector<120x1400xf32> to vector<1x1400xf32>
    %slice3A_649 = vector.extract_strided_slice %transpose3A_612 {offsets = [102, 0], sizes = [1, 1400], strides = [1, 1]} : vector<120x1400xf32> to vector<1x1400xf32>
    %slice3A_650 = vector.extract_strided_slice %transpose3A_612 {offsets = [112, 0], sizes = [1, 1400], strides = [1, 1]} : vector<120x1400xf32> to vector<1x1400xf32>
    %concatenate3A_651 = tpu.concatenate %slice3A_639, %slice3A_640, %slice3A_641, %slice3A_642, %slice3A_643, %slice3A_644, %slice3A_645, %slice3A_646, %slice3A_647, %slice3A_648, %slice3A_649, %slice3A_650 in 1 : vector<1x1400xf32>, vector<1x1400xf32>, vector<1x1400xf32>, vector<1x1400xf32>, vector<1x1400xf32>, vector<1x1400xf32>, vector<1x1400xf32>, vector<1x1400xf32>, vector<1x1400xf32>, vector<1x1400xf32>, vector<1x1400xf32>, vector<1x1400xf32> -> vector<1x16800xf32>
    %slice3A_652 = vector.extract_strided_slice %transpose3A_612 {offsets = [3, 0], sizes = [1, 1400], strides = [1, 1]} : vector<120x1400xf32> to vector<1x1400xf32>
    %slice3A_653 = vector.extract_strided_slice %transpose3A_612 {offsets = [13, 0], sizes = [1, 1400], strides = [1, 1]} : vector<120x1400xf32> to vector<1x1400xf32>
    %slice3A_654 = vector.extract_strided_slice %transpose3A_612 {offsets = [23, 0], sizes = [1, 1400], strides = [1, 1]} : vector<120x1400xf32> to vector<1x1400xf32>
    %slice3A_655 = vector.extract_strided_slice %transpose3A_612 {offsets = [33, 0], sizes = [1, 1400], strides = [1, 1]} : vector<120x1400xf32> to vector<1x1400xf32>
    %slice3A_656 = vector.extract_strided_slice %transpose3A_612 {offsets = [43, 0], sizes = [1, 1400], strides = [1, 1]} : vector<120x1400xf32> to vector<1x1400xf32>
    %slice3A_657 = vector.extract_strided_slice %transpose3A_612 {offsets = [53, 0], sizes = [1, 1400], strides = [1, 1]} : vector<120x1400xf32> to vector<1x1400xf32>
    %slice3A_658 = vector.extract_strided_slice %transpose3A_612 {offsets = [63, 0], sizes = [1, 1400], strides = [1, 1]} : vector<120x1400xf32> to vector<1x1400xf32>
    %slice3A_659 = vector.extract_strided_slice %transpose3A_612 {offsets = [73, 0], sizes = [1, 1400], strides = [1, 1]} : vector<120x1400xf32> to vector<1x1400xf32>
    %slice3A_660 = vector.extract_strided_slice %transpose3A_612 {offsets = [83, 0], sizes = [1, 1400], strides = [1, 1]} : vector<120x1400xf32> to vector<1x1400xf32>
    %slice3A_661 = vector.extract_strided_slice %transpose3A_612 {offsets = [93, 0], sizes = [1, 1400], strides = [1, 1]} : vector<120x1400xf32> to vector<1x1400xf32>
    %slice3A_662 = vector.extract_strided_slice %transpose3A_612 {offsets = [103, 0], sizes = [1, 1400], strides = [1, 1]} : vector<120x1400xf32> to vector<1x1400xf32>
    %slice3A_663 = vector.extract_strided_slice %transpose3A_612 {offsets = [113, 0], sizes = [1, 1400], strides = [1, 1]} : vector<120x1400xf32> to vector<1x1400xf32>
    %concatenate3A_664 = tpu.concatenate %slice3A_652, %slice3A_653, %slice3A_654, %slice3A_655, %slice3A_656, %slice3A_657, %slice3A_658, %slice3A_659, %slice3A_660, %slice3A_661, %slice3A_662, %slice3A_663 in 1 : vector<1x1400xf32>, vector<1x1400xf32>, vector<1x1400xf32>, vector<1x1400xf32>, vector<1x1400xf32>, vector<1x1400xf32>, vector<1x1400xf32>, vector<1x1400xf32>, vector<1x1400xf32>, vector<1x1400xf32>, vector<1x1400xf32>, vector<1x1400xf32> -> vector<1x16800xf32>
    %slice3A_665 = vector.extract_strided_slice %transpose3A_612 {offsets = [4, 0], sizes = [1, 1400], strides = [1, 1]} : vector<120x1400xf32> to vector<1x1400xf32>
    %slice3A_666 = vector.extract_strided_slice %transpose3A_612 {offsets = [14, 0], sizes = [1, 1400], strides = [1, 1]} : vector<120x1400xf32> to vector<1x1400xf32>
    %slice3A_667 = vector.extract_strided_slice %transpose3A_612 {offsets = [24, 0], sizes = [1, 1400], strides = [1, 1]} : vector<120x1400xf32> to vector<1x1400xf32>
    %slice3A_668 = vector.extract_strided_slice %transpose3A_612 {offsets = [34, 0], sizes = [1, 1400], strides = [1, 1]} : vector<120x1400xf32> to vector<1x1400xf32>
    %slice3A_669 = vector.extract_strided_slice %transpose3A_612 {offsets = [44, 0], sizes = [1, 1400], strides = [1, 1]} : vector<120x1400xf32> to vector<1x1400xf32>
    %slice3A_670 = vector.extract_strided_slice %transpose3A_612 {offsets = [54, 0], sizes = [1, 1400], strides = [1, 1]} : vector<120x1400xf32> to vector<1x1400xf32>
    %slice3A_671 = vector.extract_strided_slice %transpose3A_612 {offsets = [64, 0], sizes = [1, 1400], strides = [1, 1]} : vector<120x1400xf32> to vector<1x1400xf32>
    %slice3A_672 = vector.extract_strided_slice %transpose3A_612 {offsets = [74, 0], sizes = [1, 1400], strides = [1, 1]} : vector<120x1400xf32> to vector<1x1400xf32>
    %slice3A_673 = vector.extract_strided_slice %transpose3A_612 {offsets = [84, 0], sizes = [1, 1400], strides = [1, 1]} : vector<120x1400xf32> to vector<1x1400xf32>
    %slice3A_674 = vector.extract_strided_slice %transpose3A_612 {offsets = [94, 0], sizes = [1, 1400], strides = [1, 1]} : vector<120x1400xf32> to vector<1x1400xf32>
    %slice3A_675 = vector.extract_strided_slice %transpose3A_612 {offsets = [104, 0], sizes = [1, 1400], strides = [1, 1]} : vector<120x1400xf32> to vector<1x1400xf32>
    %slice3A_676 = vector.extract_strided_slice %transpose3A_612 {offsets = [114, 0], sizes = [1, 1400], strides = [1, 1]} : vector<120x1400xf32> to vector<1x1400xf32>
    %concatenate3A_677 = tpu.concatenate %slice3A_665, %slice3A_666, %slice3A_667, %slice3A_668, %slice3A_669, %slice3A_670, %slice3A_671, %slice3A_672, %slice3A_673, %slice3A_674, %slice3A_675, %slice3A_676 in 1 : vector<1x1400xf32>, vector<1x1400xf32>, vector<1x1400xf32>, vector<1x1400xf32>, vector<1x1400xf32>, vector<1x1400xf32>, vector<1x1400xf32>, vector<1x1400xf32>, vector<1x1400xf32>, vector<1x1400xf32>, vector<1x1400xf32>, vector<1x1400xf32> -> vector<1x16800xf32>
    %slice3A_678 = vector.extract_strided_slice %transpose3A_612 {offsets = [5, 0], sizes = [1, 1400], strides = [1, 1]} : vector<120x1400xf32> to vector<1x1400xf32>
    %slice3A_679 = vector.extract_strided_slice %transpose3A_612 {offsets = [15, 0], sizes = [1, 1400], strides = [1, 1]} : vector<120x1400xf32> to vector<1x1400xf32>
    %slice3A_680 = vector.extract_strided_slice %transpose3A_612 {offsets = [25, 0], sizes = [1, 1400], strides = [1, 1]} : vector<120x1400xf32> to vector<1x1400xf32>
    %slice3A_681 = vector.extract_strided_slice %transpose3A_612 {offsets = [35, 0], sizes = [1, 1400], strides = [1, 1]} : vector<120x1400xf32> to vector<1x1400xf32>
    %slice3A_682 = vector.extract_strided_slice %transpose3A_612 {offsets = [45, 0], sizes = [1, 1400], strides = [1, 1]} : vector<120x1400xf32> to vector<1x1400xf32>
    %slice3A_683 = vector.extract_strided_slice %transpose3A_612 {offsets = [55, 0], sizes = [1, 1400], strides = [1, 1]} : vector<120x1400xf32> to vector<1x1400xf32>
    %slice3A_684 = vector.extract_strided_slice %transpose3A_612 {offsets = [65, 0], sizes = [1, 1400], strides = [1, 1]} : vector<120x1400xf32> to vector<1x1400xf32>
    %slice3A_685 = vector.extract_strided_slice %transpose3A_612 {offsets = [75, 0], sizes = [1, 1400], strides = [1, 1]} : vector<120x1400xf32> to vector<1x1400xf32>
    %slice3A_686 = vector.extract_strided_slice %transpose3A_612 {offsets = [85, 0], sizes = [1, 1400], strides = [1, 1]} : vector<120x1400xf32> to vector<1x1400xf32>
    %slice3A_687 = vector.extract_strided_slice %transpose3A_612 {offsets = [95, 0], sizes = [1, 1400], strides = [1, 1]} : vector<120x1400xf32> to vector<1x1400xf32>
    %slice3A_688 = vector.extract_strided_slice %transpose3A_612 {offsets = [105, 0], sizes = [1, 1400], strides = [1, 1]} : vector<120x1400xf32> to vector<1x1400xf32>
    %slice3A_689 = vector.extract_strided_slice %transpose3A_612 {offsets = [115, 0], sizes = [1, 1400], strides = [1, 1]} : vector<120x1400xf32> to vector<1x1400xf32>
    %concatenate3A_690 = tpu.concatenate %slice3A_678, %slice3A_679, %slice3A_680, %slice3A_681, %slice3A_682, %slice3A_683, %slice3A_684, %slice3A_685, %slice3A_686, %slice3A_687, %slice3A_688, %slice3A_689 in 1 : vector<1x1400xf32>, vector<1x1400xf32>, vector<1x1400xf32>, vector<1x1400xf32>, vector<1x1400xf32>, vector<1x1400xf32>, vector<1x1400xf32>, vector<1x1400xf32>, vector<1x1400xf32>, vector<1x1400xf32>, vector<1x1400xf32>, vector<1x1400xf32> -> vector<1x16800xf32>
    %slice3A_691 = vector.extract_strided_slice %transpose3A_612 {offsets = [6, 0], sizes = [1, 1400], strides = [1, 1]} : vector<120x1400xf32> to vector<1x1400xf32>
    %slice3A_692 = vector.extract_strided_slice %transpose3A_612 {offsets = [16, 0], sizes = [1, 1400], strides = [1, 1]} : vector<120x1400xf32> to vector<1x1400xf32>
    %slice3A_693 = vector.extract_strided_slice %transpose3A_612 {offsets = [26, 0], sizes = [1, 1400], strides = [1, 1]} : vector<120x1400xf32> to vector<1x1400xf32>
    %slice3A_694 = vector.extract_strided_slice %transpose3A_612 {offsets = [36, 0], sizes = [1, 1400], strides = [1, 1]} : vector<120x1400xf32> to vector<1x1400xf32>
    %slice3A_695 = vector.extract_strided_slice %transpose3A_612 {offsets = [46, 0], sizes = [1, 1400], strides = [1, 1]} : vector<120x1400xf32> to vector<1x1400xf32>
    %slice3A_696 = vector.extract_strided_slice %transpose3A_612 {offsets = [56, 0], sizes = [1, 1400], strides = [1, 1]} : vector<120x1400xf32> to vector<1x1400xf32>
    %slice3A_697 = vector.extract_strided_slice %transpose3A_612 {offsets = [66, 0], sizes = [1, 1400], strides = [1, 1]} : vector<120x1400xf32> to vector<1x1400xf32>
    %slice3A_698 = vector.extract_strided_slice %transpose3A_612 {offsets = [76, 0], sizes = [1, 1400], strides = [1, 1]} : vector<120x1400xf32> to vector<1x1400xf32>
    %slice3A_699 = vector.extract_strided_slice %transpose3A_612 {offsets = [86, 0], sizes = [1, 1400], strides = [1, 1]} : vector<120x1400xf32> to vector<1x1400xf32>
    %slice3A_700 = vector.extract_strided_slice %transpose3A_612 {offsets = [96, 0], sizes = [1, 1400], strides = [1, 1]} : vector<120x1400xf32> to vector<1x1400xf32>
    %slice3A_701 = vector.extract_strided_slice %transpose3A_612 {offsets = [106, 0], sizes = [1, 1400], strides = [1, 1]} : vector<120x1400xf32> to vector<1x1400xf32>
    %slice3A_702 = vector.extract_strided_slice %transpose3A_612 {offsets = [116, 0], sizes = [1, 1400], strides = [1, 1]} : vector<120x1400xf32> to vector<1x1400xf32>
    %concatenate3A_703 = tpu.concatenate %slice3A_691, %slice3A_692, %slice3A_693, %slice3A_694, %slice3A_695, %slice3A_696, %slice3A_697, %slice3A_698, %slice3A_699, %slice3A_700, %slice3A_701, %slice3A_702 in 1 : vector<1x1400xf32>, vector<1x1400xf32>, vector<1x1400xf32>, vector<1x1400xf32>, vector<1x1400xf32>, vector<1x1400xf32>, vector<1x1400xf32>, vector<1x1400xf32>, vector<1x1400xf32>, vector<1x1400xf32>, vector<1x1400xf32>, vector<1x1400xf32> -> vector<1x16800xf32>
    %slice3A_704 = vector.extract_strided_slice %transpose3A_612 {offsets = [7, 0], sizes = [1, 1400], strides = [1, 1]} : vector<120x1400xf32> to vector<1x1400xf32>
    %slice3A_705 = vector.extract_strided_slice %transpose3A_612 {offsets = [17, 0], sizes = [1, 1400], strides = [1, 1]} : vector<120x1400xf32> to vector<1x1400xf32>
    %slice3A_706 = vector.extract_strided_slice %transpose3A_612 {offsets = [27, 0], sizes = [1, 1400], strides = [1, 1]} : vector<120x1400xf32> to vector<1x1400xf32>
    %slice3A_707 = vector.extract_strided_slice %transpose3A_612 {offsets = [37, 0], sizes = [1, 1400], strides = [1, 1]} : vector<120x1400xf32> to vector<1x1400xf32>
    %slice3A_708 = vector.extract_strided_slice %transpose3A_612 {offsets = [47, 0], sizes = [1, 1400], strides = [1, 1]} : vector<120x1400xf32> to vector<1x1400xf32>
    %slice3A_709 = vector.extract_strided_slice %transpose3A_612 {offsets = [57, 0], sizes = [1, 1400], strides = [1, 1]} : vector<120x1400xf32> to vector<1x1400xf32>
    %slice3A_710 = vector.extract_strided_slice %transpose3A_612 {offsets = [67, 0], sizes = [1, 1400], strides = [1, 1]} : vector<120x1400xf32> to vector<1x1400xf32>
    %slice3A_711 = vector.extract_strided_slice %transpose3A_612 {offsets = [77, 0], sizes = [1, 1400], strides = [1, 1]} : vector<120x1400xf32> to vector<1x1400xf32>
    %slice3A_712 = vector.extract_strided_slice %transpose3A_612 {offsets = [87, 0], sizes = [1, 1400], strides = [1, 1]} : vector<120x1400xf32> to vector<1x1400xf32>
    %slice3A_713 = vector.extract_strided_slice %transpose3A_612 {offsets = [97, 0], sizes = [1, 1400], strides = [1, 1]} : vector<120x1400xf32> to vector<1x1400xf32>
    %slice3A_714 = vector.extract_strided_slice %transpose3A_612 {offsets = [107, 0], sizes = [1, 1400], strides = [1, 1]} : vector<120x1400xf32> to vector<1x1400xf32>
    %slice3A_715 = vector.extract_strided_slice %transpose3A_612 {offsets = [117, 0], sizes = [1, 1400], strides = [1, 1]} : vector<120x1400xf32> to vector<1x1400xf32>
    %concatenate3A_716 = tpu.concatenate %slice3A_704, %slice3A_705, %slice3A_706, %slice3A_707, %slice3A_708, %slice3A_709, %slice3A_710, %slice3A_711, %slice3A_712, %slice3A_713, %slice3A_714, %slice3A_715 in 1 : vector<1x1400xf32>, vector<1x1400xf32>, vector<1x1400xf32>, vector<1x1400xf32>, vector<1x1400xf32>, vector<1x1400xf32>, vector<1x1400xf32>, vector<1x1400xf32>, vector<1x1400xf32>, vector<1x1400xf32>, vector<1x1400xf32>, vector<1x1400xf32> -> vector<1x16800xf32>
    %slice3A_717 = vector.extract_strided_slice %transpose3A_612 {offsets = [8, 0], sizes = [1, 1400], strides = [1, 1]} : vector<120x1400xf32> to vector<1x1400xf32>
    %slice3A_718 = vector.extract_strided_slice %transpose3A_612 {offsets = [18, 0], sizes = [1, 1400], strides = [1, 1]} : vector<120x1400xf32> to vector<1x1400xf32>
    %slice3A_719 = vector.extract_strided_slice %transpose3A_612 {offsets = [28, 0], sizes = [1, 1400], strides = [1, 1]} : vector<120x1400xf32> to vector<1x1400xf32>
    %slice3A_720 = vector.extract_strided_slice %transpose3A_612 {offsets = [38, 0], sizes = [1, 1400], strides = [1, 1]} : vector<120x1400xf32> to vector<1x1400xf32>
    %slice3A_721 = vector.extract_strided_slice %transpose3A_612 {offsets = [48, 0], sizes = [1, 1400], strides = [1, 1]} : vector<120x1400xf32> to vector<1x1400xf32>
    %slice3A_722 = vector.extract_strided_slice %transpose3A_612 {offsets = [58, 0], sizes = [1, 1400], strides = [1, 1]} : vector<120x1400xf32> to vector<1x1400xf32>
    %slice3A_723 = vector.extract_strided_slice %transpose3A_612 {offsets = [68, 0], sizes = [1, 1400], strides = [1, 1]} : vector<120x1400xf32> to vector<1x1400xf32>
    %slice3A_724 = vector.extract_strided_slice %transpose3A_612 {offsets = [78, 0], sizes = [1, 1400], strides = [1, 1]} : vector<120x1400xf32> to vector<1x1400xf32>
    %slice3A_725 = vector.extract_strided_slice %transpose3A_612 {offsets = [88, 0], sizes = [1, 1400], strides = [1, 1]} : vector<120x1400xf32> to vector<1x1400xf32>
    %slice3A_726 = vector.extract_strided_slice %transpose3A_612 {offsets = [98, 0], sizes = [1, 1400], strides = [1, 1]} : vector<120x1400xf32> to vector<1x1400xf32>
    %slice3A_727 = vector.extract_strided_slice %transpose3A_612 {offsets = [108, 0], sizes = [1, 1400], strides = [1, 1]} : vector<120x1400xf32> to vector<1x1400xf32>
    %slice3A_728 = vector.extract_strided_slice %transpose3A_612 {offsets = [118, 0], sizes = [1, 1400], strides = [1, 1]} : vector<120x1400xf32> to vector<1x1400xf32>
    %concatenate3A_729 = tpu.concatenate %slice3A_717, %slice3A_718, %slice3A_719, %slice3A_720, %slice3A_721, %slice3A_722, %slice3A_723, %slice3A_724, %slice3A_725, %slice3A_726, %slice3A_727, %slice3A_728 in 1 : vector<1x1400xf32>, vector<1x1400xf32>, vector<1x1400xf32>, vector<1x1400xf32>, vector<1x1400xf32>, vector<1x1400xf32>, vector<1x1400xf32>, vector<1x1400xf32>, vector<1x1400xf32>, vector<1x1400xf32>, vector<1x1400xf32>, vector<1x1400xf32> -> vector<1x16800xf32>
    %slice3A_730 = vector.extract_strided_slice %transpose3A_612 {offsets = [9, 0], sizes = [1, 1400], strides = [1, 1]} : vector<120x1400xf32> to vector<1x1400xf32>
    %slice3A_731 = vector.extract_strided_slice %transpose3A_612 {offsets = [19, 0], sizes = [1, 1400], strides = [1, 1]} : vector<120x1400xf32> to vector<1x1400xf32>
    %slice3A_732 = vector.extract_strided_slice %transpose3A_612 {offsets = [29, 0], sizes = [1, 1400], strides = [1, 1]} : vector<120x1400xf32> to vector<1x1400xf32>
    %slice3A_733 = vector.extract_strided_slice %transpose3A_612 {offsets = [39, 0], sizes = [1, 1400], strides = [1, 1]} : vector<120x1400xf32> to vector<1x1400xf32>
    %slice3A_734 = vector.extract_strided_slice %transpose3A_612 {offsets = [49, 0], sizes = [1, 1400], strides = [1, 1]} : vector<120x1400xf32> to vector<1x1400xf32>
    %slice3A_735 = vector.extract_strided_slice %transpose3A_612 {offsets = [59, 0], sizes = [1, 1400], strides = [1, 1]} : vector<120x1400xf32> to vector<1x1400xf32>
    %slice3A_736 = vector.extract_strided_slice %transpose3A_612 {offsets = [69, 0], sizes = [1, 1400], strides = [1, 1]} : vector<120x1400xf32> to vector<1x1400xf32>
    %slice3A_737 = vector.extract_strided_slice %transpose3A_612 {offsets = [79, 0], sizes = [1, 1400], strides = [1, 1]} : vector<120x1400xf32> to vector<1x1400xf32>
    %slice3A_738 = vector.extract_strided_slice %transpose3A_612 {offsets = [89, 0], sizes = [1, 1400], strides = [1, 1]} : vector<120x1400xf32> to vector<1x1400xf32>
    %slice3A_739 = vector.extract_strided_slice %transpose3A_612 {offsets = [99, 0], sizes = [1, 1400], strides = [1, 1]} : vector<120x1400xf32> to vector<1x1400xf32>
    %slice3A_740 = vector.extract_strided_slice %transpose3A_612 {offsets = [109, 0], sizes = [1, 1400], strides = [1, 1]} : vector<120x1400xf32> to vector<1x1400xf32>
    %slice3A_741 = vector.extract_strided_slice %transpose3A_612 {offsets = [119, 0], sizes = [1, 1400], strides = [1, 1]} : vector<120x1400xf32> to vector<1x1400xf32>
    %concatenate3A_742 = tpu.concatenate %slice3A_730, %slice3A_731, %slice3A_732, %slice3A_733, %slice3A_734, %slice3A_735, %slice3A_736, %slice3A_737, %slice3A_738, %slice3A_739, %slice3A_740, %slice3A_741 in 1 : vector<1x1400xf32>, vector<1x1400xf32>, vector<1x1400xf32>, vector<1x1400xf32>, vector<1x1400xf32>, vector<1x1400xf32>, vector<1x1400xf32>, vector<1x1400xf32>, vector<1x1400xf32>, vector<1x1400xf32>, vector<1x1400xf32>, vector<1x1400xf32> -> vector<1x16800xf32>
    %concatenate3A_743 = tpu.concatenate %concatenate3A_625, %concatenate3A_638, %concatenate3A_651, %concatenate3A_664, %concatenate3A_677, %concatenate3A_690, %concatenate3A_703, %concatenate3A_716, %concatenate3A_729, %concatenate3A_742 in 0 : vector<1x16800xf32>, vector<1x16800xf32>, vector<1x16800xf32>, vector<1x16800xf32>, vector<1x16800xf32>, vector<1x16800xf32>, vector<1x16800xf32>, vector<1x16800xf32>, vector<1x16800xf32>, vector<1x16800xf32> -> vector<10x16800xf32>
    %get3A_744 = arith.constant 1 : index
    %get3A_745 = arith.constant 0 : index
    %get3A_746 = arith.constant 0 : index
    %get3A_747 = vector.load %arg1[%get3A_744, %get3A_745, %get3A_746] : memref<2x1400x24xf32, #tpu.memory_space<vmem>>, vector<1x1400x24xf32>
    %get3A_748 = vector.shape_cast %get3A_747 : vector<1x1400x24xf32> to vector<1400x24xf32>
    %transpose3A_749 = tpu.transpose %get3A_748, [1, 0] : vector<1400x24xf32> -> vector<24x1400xf32>
    %slice3A_750 = vector.extract_strided_slice %transpose3A_749 {offsets = [1, 0], sizes = [1, 1400], strides = [1, 1]} : vector<24x1400xf32> to vector<1x1400xf32>
    %slice3A_751 = vector.extract_strided_slice %transpose3A_749 {offsets = [0, 0], sizes = [1, 1400], strides = [1, 1]} : vector<24x1400xf32> to vector<1x1400xf32>
    %sub3A_752 = arith.subf %slice3A_750, %slice3A_751 : vector<1x1400xf32>
    %slice3A_753 = vector.extract_strided_slice %transpose3A_749 {offsets = [3, 0], sizes = [1, 1400], strides = [1, 1]} : vector<24x1400xf32> to vector<1x1400xf32>
    %slice3A_754 = vector.extract_strided_slice %transpose3A_749 {offsets = [2, 0], sizes = [1, 1400], strides = [1, 1]} : vector<24x1400xf32> to vector<1x1400xf32>
    %sub3A_755 = arith.subf %slice3A_753, %slice3A_754 : vector<1x1400xf32>
    %slice3A_756 = vector.extract_strided_slice %transpose3A_749 {offsets = [5, 0], sizes = [1, 1400], strides = [1, 1]} : vector<24x1400xf32> to vector<1x1400xf32>
    %slice3A_757 = vector.extract_strided_slice %transpose3A_749 {offsets = [4, 0], sizes = [1, 1400], strides = [1, 1]} : vector<24x1400xf32> to vector<1x1400xf32>
    %sub3A_758 = arith.subf %slice3A_756, %slice3A_757 : vector<1x1400xf32>
    %slice3A_759 = vector.extract_strided_slice %transpose3A_749 {offsets = [7, 0], sizes = [1, 1400], strides = [1, 1]} : vector<24x1400xf32> to vector<1x1400xf32>
    %slice3A_760 = vector.extract_strided_slice %transpose3A_749 {offsets = [6, 0], sizes = [1, 1400], strides = [1, 1]} : vector<24x1400xf32> to vector<1x1400xf32>
    %sub3A_761 = arith.subf %slice3A_759, %slice3A_760 : vector<1x1400xf32>
    %slice3A_762 = vector.extract_strided_slice %transpose3A_749 {offsets = [9, 0], sizes = [1, 1400], strides = [1, 1]} : vector<24x1400xf32> to vector<1x1400xf32>
    %slice3A_763 = vector.extract_strided_slice %transpose3A_749 {offsets = [8, 0], sizes = [1, 1400], strides = [1, 1]} : vector<24x1400xf32> to vector<1x1400xf32>
    %sub3A_764 = arith.subf %slice3A_762, %slice3A_763 : vector<1x1400xf32>
    %slice3A_765 = vector.extract_strided_slice %transpose3A_749 {offsets = [11, 0], sizes = [1, 1400], strides = [1, 1]} : vector<24x1400xf32> to vector<1x1400xf32>
    %slice3A_766 = vector.extract_strided_slice %transpose3A_749 {offsets = [10, 0], sizes = [1, 1400], strides = [1, 1]} : vector<24x1400xf32> to vector<1x1400xf32>
    %sub3A_767 = arith.subf %slice3A_765, %slice3A_766 : vector<1x1400xf32>
    %slice3A_768 = vector.extract_strided_slice %transpose3A_749 {offsets = [13, 0], sizes = [1, 1400], strides = [1, 1]} : vector<24x1400xf32> to vector<1x1400xf32>
    %slice3A_769 = vector.extract_strided_slice %transpose3A_749 {offsets = [12, 0], sizes = [1, 1400], strides = [1, 1]} : vector<24x1400xf32> to vector<1x1400xf32>
    %sub3A_770 = arith.subf %slice3A_768, %slice3A_769 : vector<1x1400xf32>
    %slice3A_771 = vector.extract_strided_slice %transpose3A_749 {offsets = [15, 0], sizes = [1, 1400], strides = [1, 1]} : vector<24x1400xf32> to vector<1x1400xf32>
    %slice3A_772 = vector.extract_strided_slice %transpose3A_749 {offsets = [14, 0], sizes = [1, 1400], strides = [1, 1]} : vector<24x1400xf32> to vector<1x1400xf32>
    %sub3A_773 = arith.subf %slice3A_771, %slice3A_772 : vector<1x1400xf32>
    %slice3A_774 = vector.extract_strided_slice %transpose3A_749 {offsets = [17, 0], sizes = [1, 1400], strides = [1, 1]} : vector<24x1400xf32> to vector<1x1400xf32>
    %slice3A_775 = vector.extract_strided_slice %transpose3A_749 {offsets = [16, 0], sizes = [1, 1400], strides = [1, 1]} : vector<24x1400xf32> to vector<1x1400xf32>
    %sub3A_776 = arith.subf %slice3A_774, %slice3A_775 : vector<1x1400xf32>
    %slice3A_777 = vector.extract_strided_slice %transpose3A_749 {offsets = [19, 0], sizes = [1, 1400], strides = [1, 1]} : vector<24x1400xf32> to vector<1x1400xf32>
    %slice3A_778 = vector.extract_strided_slice %transpose3A_749 {offsets = [18, 0], sizes = [1, 1400], strides = [1, 1]} : vector<24x1400xf32> to vector<1x1400xf32>
    %sub3A_779 = arith.subf %slice3A_777, %slice3A_778 : vector<1x1400xf32>
    %slice3A_780 = vector.extract_strided_slice %transpose3A_749 {offsets = [21, 0], sizes = [1, 1400], strides = [1, 1]} : vector<24x1400xf32> to vector<1x1400xf32>
    %slice3A_781 = vector.extract_strided_slice %transpose3A_749 {offsets = [20, 0], sizes = [1, 1400], strides = [1, 1]} : vector<24x1400xf32> to vector<1x1400xf32>
    %sub3A_782 = arith.subf %slice3A_780, %slice3A_781 : vector<1x1400xf32>
    %slice3A_783 = vector.extract_strided_slice %transpose3A_749 {offsets = [23, 0], sizes = [1, 1400], strides = [1, 1]} : vector<24x1400xf32> to vector<1x1400xf32>
    %slice3A_784 = vector.extract_strided_slice %transpose3A_749 {offsets = [22, 0], sizes = [1, 1400], strides = [1, 1]} : vector<24x1400xf32> to vector<1x1400xf32>
    %sub3A_785 = arith.subf %slice3A_783, %slice3A_784 : vector<1x1400xf32>
    %concatenate3A_786 = tpu.concatenate %sub3A_752, %sub3A_755, %sub3A_758, %sub3A_761, %sub3A_764, %sub3A_767, %sub3A_770, %sub3A_773, %sub3A_776, %sub3A_779, %sub3A_782, %sub3A_785 in 1 : vector<1x1400xf32>, vector<1x1400xf32>, vector<1x1400xf32>, vector<1x1400xf32>, vector<1x1400xf32>, vector<1x1400xf32>, vector<1x1400xf32>, vector<1x1400xf32>, vector<1x1400xf32>, vector<1x1400xf32>, vector<1x1400xf32>, vector<1x1400xf32> -> vector<1x16800xf32>
    %slice3A_787 = vector.extract_strided_slice %get3A_542 {offsets = [0, 0], sizes = [32, 1], strides = [1, 1]} : vector<32x15xf32> to vector<32x1xf32>
    %slice3A_788 = vector.extract_strided_slice %get3A_542 {offsets = [0, 1], sizes = [32, 1], strides = [1, 1]} : vector<32x15xf32> to vector<32x1xf32>
    %slice3A_789 = vector.extract_strided_slice %get3A_542 {offsets = [0, 2], sizes = [32, 1], strides = [1, 1]} : vector<32x15xf32> to vector<32x1xf32>
    %slice3A_790 = vector.extract_strided_slice %get3A_542 {offsets = [0, 3], sizes = [32, 1], strides = [1, 1]} : vector<32x15xf32> to vector<32x1xf32>
    %get3A_791 = arith.constant 0 : index
    %get3A_792 = arith.constant 0 : index
    %get3A_793 = vector.load %arg4[%get3A_791, %get3A_792] : memref<4x16800xf32, #tpu.memory_space<vmem>>, vector<1x16800xf32>
    %get3A_794 = arith.constant 1 : index
    %get3A_795 = arith.constant 0 : index
    %get3A_796 = vector.load %arg4[%get3A_794, %get3A_795] : memref<4x16800xf32, #tpu.memory_space<vmem>>, vector<1x16800xf32>
    %get3A_797 = arith.constant 2 : index
    %get3A_798 = arith.constant 0 : index
    %get3A_799 = vector.load %arg4[%get3A_797, %get3A_798] : memref<4x16800xf32, #tpu.memory_space<vmem>>, vector<1x16800xf32>
    %get3A_800 = arith.constant 3 : index
    %get3A_801 = arith.constant 0 : index
    %get3A_802 = vector.load %arg4[%get3A_800, %get3A_801] : memref<4x16800xf32, #tpu.memory_space<vmem>>, vector<1x16800xf32>
    %mul3A_803 = arith.constant 5.000000e-01 : f32
    %mul3A_804 = vector.broadcast %mul3A_803 : f32 to vector<1x16800xf32>
    %mul3A_805 = arith.mulf %get3A_799, %mul3A_804 : vector<1x16800xf32>
    %sub3A_806 = arith.subf %get3A_793, %mul3A_805 : vector<1x16800xf32>
    %mul3A_807 = arith.constant 5.000000e-01 : f32
    %mul3A_808 = vector.broadcast %mul3A_807 : f32 to vector<1x16800xf32>
    %mul3A_809 = arith.mulf %get3A_802, %mul3A_808 : vector<1x16800xf32>
    %sub3A_810 = arith.subf %get3A_796, %mul3A_809 : vector<1x16800xf32>
    %mul3A_811 = arith.constant 5.000000e-01 : f32
    %mul3A_812 = vector.broadcast %mul3A_811 : f32 to vector<1x16800xf32>
    %mul3A_813 = arith.mulf %get3A_799, %mul3A_812 : vector<1x16800xf32>
    %add3A_814 = arith.addf %get3A_793, %mul3A_813 : vector<1x16800xf32>
    %mul3A_815 = arith.constant 5.000000e-01 : f32
    %mul3A_816 = vector.broadcast %mul3A_815 : f32 to vector<1x16800xf32>
    %mul3A_817 = arith.mulf %get3A_802, %mul3A_816 : vector<1x16800xf32>
    %add3A_818 = arith.addf %get3A_796, %mul3A_817 : vector<1x16800xf32>
    %min3A_819 = vector.broadcast %slice3A_789 : vector<32x1xf32> to vector<32x16800xf32>
    %min3A_820 = vector.broadcast %add3A_814 : vector<1x16800xf32> to vector<32x16800xf32>
    %min3A_821 = arith.minimumf %min3A_819, %min3A_820 : vector<32x16800xf32>
    %max3A_822 = vector.broadcast %slice3A_787 : vector<32x1xf32> to vector<32x16800xf32>
    %max3A_823 = vector.broadcast %sub3A_806 : vector<1x16800xf32> to vector<32x16800xf32>
    %max3A_824 = arith.maximumf %max3A_822, %max3A_823 : vector<32x16800xf32>
    %sub3A_825 = arith.subf %min3A_821, %max3A_824 : vector<32x16800xf32>
    %max3A_826 = arith.constant 0.000000e+00 : f32
    %max3A_827 = vector.broadcast %max3A_826 : f32 to vector<32x16800xf32>
    %max3A_828 = arith.maximumf %sub3A_825, %max3A_827 : vector<32x16800xf32>
    %min3A_829 = vector.broadcast %slice3A_790 : vector<32x1xf32> to vector<32x16800xf32>
    %min3A_830 = vector.broadcast %add3A_818 : vector<1x16800xf32> to vector<32x16800xf32>
    %min3A_831 = arith.minimumf %min3A_829, %min3A_830 : vector<32x16800xf32>
    %max3A_832 = vector.broadcast %slice3A_788 : vector<32x1xf32> to vector<32x16800xf32>
    %max3A_833 = vector.broadcast %sub3A_810 : vector<1x16800xf32> to vector<32x16800xf32>
    %max3A_834 = arith.maximumf %max3A_832, %max3A_833 : vector<32x16800xf32>
    %sub3A_835 = arith.subf %min3A_831, %max3A_834 : vector<32x16800xf32>
    %max3A_836 = arith.constant 0.000000e+00 : f32
    %max3A_837 = vector.broadcast %max3A_836 : f32 to vector<32x16800xf32>
    %max3A_838 = arith.maximumf %sub3A_835, %max3A_837 : vector<32x16800xf32>
    %mul3A_839 = arith.mulf %max3A_828, %max3A_838 : vector<32x16800xf32>
    %sub3A_840 = arith.subf %slice3A_789, %slice3A_787 : vector<32x1xf32>
    %sub3A_841 = arith.subf %slice3A_790, %slice3A_788 : vector<32x1xf32>
    %mul3A_842 = arith.mulf %sub3A_840, %sub3A_841 : vector<32x1xf32>
    %mul3A_843 = arith.mulf %get3A_799, %get3A_802 : vector<1x16800xf32>
    %add3A_844 = vector.broadcast %mul3A_842 : vector<32x1xf32> to vector<32x16800xf32>
    %add3A_845 = vector.broadcast %mul3A_843 : vector<1x16800xf32> to vector<32x16800xf32>
    %add3A_846 = arith.addf %add3A_844, %add3A_845 : vector<32x16800xf32>
    %sub3A_847 = arith.subf %add3A_846, %mul3A_839 : vector<32x16800xf32>
    %div3A_848 = arith.divf %mul3A_839, %sub3A_847 : vector<32x16800xf32>
    %reduce_max3A_849 = arith.constant dense<0xFF800000> : vector<16800xf32>
    %reduce_max3A_850 = vector.multi_reduction <maximumf>, %div3A_848, %reduce_max3A_849 [0] : vector<32x16800xf32> to vector<16800xf32>
    %broadcast_in_dim3A_851 = vector.shape_cast %reduce_max3A_850 : vector<16800xf32> to vector<1x16800xf32>
    %reduce_max3A_852 = arith.constant dense<0xFF800000> : vector<32xf32>
    %reduce_max3A_853 = vector.multi_reduction <maximumf>, %div3A_848, %reduce_max3A_852 [1] : vector<32x16800xf32> to vector<32xf32>
    %broadcast_in_dim3A_854 = vector.shape_cast %reduce_max3A_853 : vector<32xf32> to vector<32x1xf32>
    %iota3A_855 = tpu.iota {dimensions = array<i32: 0>} : vector<32x16800xi32>
    %get3A_856 = arith.constant 0 : index
    %get3A_857 = arith.constant 0 : index
    %get3A_858 = vector.load %arg5[%get3A_856, %get3A_857] : memref<1x16800xi32, #tpu.memory_space<vmem>>, vector<1x16800xi32>
    %broadcast_in_dim3A_859 = vector.shape_cast %get3A_858 : vector<1x16800xi32> to vector<1x16800xi32>
    %broadcast_in_dim3A_860 = vector.broadcast %broadcast_in_dim3A_859 : vector<1x16800xi32> to vector<32x16800xi32>
    %eq3A_861 = vector.broadcast %broadcast_in_dim3A_854 : vector<32x1xf32> to vector<32x16800xf32>
    %eq3A_862 = arith.cmpf oeq, %div3A_848, %eq3A_861 : vector<32x16800xf32>
    %jit3A_863 = arith.constant 16800 : i32
    %broadcast_in_dim3A_864 = vector.broadcast %jit3A_863 : i32 to vector<32x16800xi32>
    %select_n3A_865 = arith.select %eq3A_862, %broadcast_in_dim3A_860, %broadcast_in_dim3A_864 : vector<32x16800xi1>, vector<32x16800xi32>
    %reduce_min3A_866 = arith.constant dense<2147483647> : vector<32xi32>
    %reduce_min3A_867 = vector.multi_reduction <minsi>, %select_n3A_865, %reduce_min3A_866 [1] : vector<32x16800xi32> to vector<32xi32>
    %broadcast_in_dim3A_868 = vector.shape_cast %reduce_min3A_867 : vector<32xi32> to vector<32x1xi32>
    %eq3A_869 = vector.broadcast %broadcast_in_dim3A_868 : vector<32x1xi32> to vector<32x16800xi32>
    %eq3A_870 = arith.cmpi eq, %broadcast_in_dim3A_860, %eq3A_869 : vector<32x16800xi32>
    %jit3A_871 = arith.constant -1 : i32
    %broadcast_in_dim3A_872 = vector.broadcast %jit3A_871 : i32 to vector<32x16800xi32>
    %select_n3A_873 = arith.select %eq3A_870, %iota3A_855, %broadcast_in_dim3A_872 : vector<32x16800xi1>, vector<32x16800xi32>
    %reduce_max3A_874 = arith.constant dense<-2147483648> : vector<16800xi32>
    %reduce_max3A_875 = vector.multi_reduction <maxsi>, %select_n3A_873, %reduce_max3A_874 [0] : vector<32x16800xi32> to vector<16800xi32>
    %broadcast_in_dim3A_876 = vector.shape_cast %reduce_max3A_875 : vector<16800xi32> to vector<1x16800xi32>
    %ge3A_877 = arith.constant 0 : i32
    %ge3A_878 = vector.broadcast %ge3A_877 : i32 to vector<1x16800xi32>
    %ge3A_879 = arith.cmpi sge, %broadcast_in_dim3A_876, %ge3A_878 : vector<1x16800xi32>
    %ge3A_880 = arith.constant 3.500000e-01 : f32
    %ge3A_881 = vector.broadcast %ge3A_880 : f32 to vector<1x16800xf32>
    %ge3A_882 = arith.cmpf oge, %broadcast_in_dim3A_851, %ge3A_881 : vector<1x16800xf32>
    %or3A_883 = arith.ori %ge3A_879, %ge3A_882 : vector<1x16800xi1>
    %convert_element_type3A_884 = arith.extui %or3A_883 : vector<1x16800xi1> to vector<1x16800xi32>
    %convert_element_type3A_885 = arith.sitofp %convert_element_type3A_884 : vector<1x16800xi32> to vector<1x16800xf32>
    %eq3A_886 = vector.broadcast %broadcast_in_dim3A_876 : vector<1x16800xi32> to vector<32x16800xi32>
    %eq3A_887 = arith.cmpi eq, %iota3A_855, %eq3A_886 : vector<32x16800xi32>
    %convert_element_type3A_888 = arith.extui %eq3A_887 : vector<32x16800xi1> to vector<32x16800xi32>
    %convert_element_type3A_889 = arith.sitofp %convert_element_type3A_888 : vector<32x16800xi32> to vector<32x16800xf32>
    %eq3A_890 = vector.broadcast %broadcast_in_dim3A_851 : vector<1x16800xf32> to vector<32x16800xf32>
    %eq3A_891 = arith.cmpf oeq, %div3A_848, %eq3A_890 : vector<32x16800xf32>
    %convert_element_type3A_892 = arith.extui %eq3A_891 : vector<32x16800xi1> to vector<32x16800xi32>
    %convert_element_type3A_893 = arith.sitofp %convert_element_type3A_892 : vector<32x16800xi32> to vector<32x16800xf32>
    %broadcast_in_dim3A_894 = vector.shape_cast %ge3A_879 : vector<1x16800xi1> to vector<1x16800xi1>
    %broadcast_in_dim3A_895 = vector.broadcast %broadcast_in_dim3A_894 : vector<1x16800xi1> to vector<32x16800xi1>
    %select_n3A_896 = arith.select %broadcast_in_dim3A_895, %convert_element_type3A_889, %convert_element_type3A_893 : vector<32x16800xi1>, vector<32x16800xf32>
    %dot_general3A_897 = arith.constant dense<0.000000e+00> : vector<15x16800xf32>
    %dot_general3A_898 = tpu.matmul %get3A_547, %select_n3A_896, %dot_general3A_897 {dimension_numbers = #tpu.dot_dimension_numbers<[1], [0], [0], [1], [0, 0, 1, 1], [], []>, transpose_lhs_hint = false} : vector<15x32xf32>, vector<32x16800xf32>, vector<15x16800xf32> -> vector<15x16800xf32>
    %slice3A_899 = vector.extract_strided_slice %dot_general3A_898 {offsets = [0, 0], sizes = [1, 16800], strides = [1, 1]} : vector<15x16800xf32> to vector<1x16800xf32>
    %slice3A_900 = vector.extract_strided_slice %dot_general3A_898 {offsets = [1, 0], sizes = [1, 16800], strides = [1, 1]} : vector<15x16800xf32> to vector<1x16800xf32>
    %slice3A_901 = vector.extract_strided_slice %dot_general3A_898 {offsets = [2, 0], sizes = [1, 16800], strides = [1, 1]} : vector<15x16800xf32> to vector<1x16800xf32>
    %slice3A_902 = vector.extract_strided_slice %dot_general3A_898 {offsets = [3, 0], sizes = [1, 16800], strides = [1, 1]} : vector<15x16800xf32> to vector<1x16800xf32>
    %add3A_903 = arith.addf %slice3A_899, %slice3A_901 : vector<1x16800xf32>
    %mul3A_904 = arith.constant 5.000000e-01 : f32
    %mul3A_905 = vector.broadcast %mul3A_904 : f32 to vector<1x16800xf32>
    %mul3A_906 = arith.mulf %add3A_903, %mul3A_905 : vector<1x16800xf32>
    %sub3A_907 = arith.subf %mul3A_906, %get3A_793 : vector<1x16800xf32>
    %mul3A_908 = arith.constant 1.000000e-01 : f32
    %mul3A_909 = vector.broadcast %mul3A_908 : f32 to vector<1x16800xf32>
    %mul3A_910 = arith.mulf %mul3A_909, %get3A_799 : vector<1x16800xf32>
    %div3A_911 = arith.divf %sub3A_907, %mul3A_910 : vector<1x16800xf32>
    %add3A_912 = arith.addf %slice3A_900, %slice3A_902 : vector<1x16800xf32>
    %mul3A_913 = arith.constant 5.000000e-01 : f32
    %mul3A_914 = vector.broadcast %mul3A_913 : f32 to vector<1x16800xf32>
    %mul3A_915 = arith.mulf %add3A_912, %mul3A_914 : vector<1x16800xf32>
    %sub3A_916 = arith.subf %mul3A_915, %get3A_796 : vector<1x16800xf32>
    %mul3A_917 = arith.constant 1.000000e-01 : f32
    %mul3A_918 = vector.broadcast %mul3A_917 : f32 to vector<1x16800xf32>
    %mul3A_919 = arith.mulf %mul3A_918, %get3A_802 : vector<1x16800xf32>
    %div3A_920 = arith.divf %sub3A_916, %mul3A_919 : vector<1x16800xf32>
    %sub3A_921 = arith.subf %slice3A_901, %slice3A_899 : vector<1x16800xf32>
    %div3A_922 = arith.divf %sub3A_921, %get3A_799 : vector<1x16800xf32>
    %log3A_923 = math.log %div3A_922 : vector<1x16800xf32>
    %div3A_924 = arith.constant 2.000000e-01 : f32
    %div3A_925 = vector.broadcast %div3A_924 : f32 to vector<1x16800xf32>
    %div3A_926 = arith.divf %log3A_923, %div3A_925 : vector<1x16800xf32>
    %sub3A_927 = arith.subf %slice3A_902, %slice3A_900 : vector<1x16800xf32>
    %div3A_928 = arith.divf %sub3A_927, %get3A_802 : vector<1x16800xf32>
    %log3A_929 = math.log %div3A_928 : vector<1x16800xf32>
    %div3A_930 = arith.constant 2.000000e-01 : f32
    %div3A_931 = vector.broadcast %div3A_930 : f32 to vector<1x16800xf32>
    %div3A_932 = arith.divf %log3A_929, %div3A_931 : vector<1x16800xf32>
    %concatenate3A_933 = tpu.concatenate %div3A_911, %div3A_920, %div3A_926, %div3A_932 in 0 : vector<1x16800xf32>, vector<1x16800xf32>, vector<1x16800xf32>, vector<1x16800xf32> -> vector<4x16800xf32>
    %sub3A_934 = arith.subf %concatenate3A_606, %concatenate3A_933 : vector<4x16800xf32>
    %abs3A_935 = math.absf %sub3A_934 : vector<4x16800xf32>
    %lt3A_936 = arith.constant 1.000000e+00 : f32
    %lt3A_937 = vector.broadcast %lt3A_936 : f32 to vector<4x16800xf32>
    %lt3A_938 = arith.cmpf olt, %abs3A_935, %lt3A_937 : vector<4x16800xf32>
    %mul3A_939 = arith.constant 5.000000e-01 : f32
    %mul3A_940 = vector.broadcast %mul3A_939 : f32 to vector<4x16800xf32>
    %mul3A_941 = arith.mulf %mul3A_940, %sub3A_934 : vector<4x16800xf32>
    %mul3A_942 = arith.mulf %mul3A_941, %sub3A_934 : vector<4x16800xf32>
    %sub3A_943 = arith.constant 5.000000e-01 : f32
    %sub3A_944 = vector.broadcast %sub3A_943 : f32 to vector<4x16800xf32>
    %sub3A_945 = arith.subf %abs3A_935, %sub3A_944 : vector<4x16800xf32>
    %select_n3A_946 = arith.select %lt3A_938, %mul3A_942, %sub3A_945 : vector<4x16800xi1>, vector<4x16800xf32>
    %mul3A_947 = vector.broadcast %convert_element_type3A_885 : vector<1x16800xf32> to vector<4x16800xf32>
    %mul3A_948 = arith.mulf %select_n3A_946, %mul3A_947 : vector<4x16800xf32>
    %reduce_sum3A_949 = vector.shape_cast %mul3A_948 : vector<4x16800xf32> to vector<1x4x16800xf32>
    %reduce_sum3A_950 = arith.constant dense<0.000000e+00> : vector<1xf32>
    %reduce_sum3A_951 = vector.multi_reduction <add>, %reduce_sum3A_949, %reduce_sum3A_950 [1, 2] : vector<1x4x16800xf32> to vector<1xf32>
    %reduce_sum3A_952 = vector.shape_cast %reduce_sum3A_951 : vector<1xf32> to vector<1x1x1xf32>
    %reduce_sum3A_953 = vector.extract %reduce_sum3A_952[0, 0, 0] : f32 from vector<1x1x1xf32>
    %slice3A_954 = vector.extract_strided_slice %dot_general3A_898 {offsets = [4, 0], sizes = [1, 16800], strides = [1, 1]} : vector<15x16800xf32> to vector<1x16800xf32>
    %sub3A_955 = arith.subf %slice3A_954, %get3A_793 : vector<1x16800xf32>
    %mul3A_956 = arith.constant 1.000000e-01 : f32
    %mul3A_957 = vector.broadcast %mul3A_956 : f32 to vector<1x16800xf32>
    %mul3A_958 = arith.mulf %mul3A_957, %get3A_799 : vector<1x16800xf32>
    %div3A_959 = arith.divf %sub3A_955, %mul3A_958 : vector<1x16800xf32>
    %slice3A_960 = vector.extract_strided_slice %dot_general3A_898 {offsets = [5, 0], sizes = [1, 16800], strides = [1, 1]} : vector<15x16800xf32> to vector<1x16800xf32>
    %sub3A_961 = arith.subf %slice3A_960, %get3A_796 : vector<1x16800xf32>
    %mul3A_962 = arith.constant 1.000000e-01 : f32
    %mul3A_963 = vector.broadcast %mul3A_962 : f32 to vector<1x16800xf32>
    %mul3A_964 = arith.mulf %mul3A_963, %get3A_802 : vector<1x16800xf32>
    %div3A_965 = arith.divf %sub3A_961, %mul3A_964 : vector<1x16800xf32>
    %slice3A_966 = vector.extract_strided_slice %dot_general3A_898 {offsets = [6, 0], sizes = [1, 16800], strides = [1, 1]} : vector<15x16800xf32> to vector<1x16800xf32>
    %sub3A_967 = arith.subf %slice3A_966, %get3A_793 : vector<1x16800xf32>
    %mul3A_968 = arith.constant 1.000000e-01 : f32
    %mul3A_969 = vector.broadcast %mul3A_968 : f32 to vector<1x16800xf32>
    %mul3A_970 = arith.mulf %mul3A_969, %get3A_799 : vector<1x16800xf32>
    %div3A_971 = arith.divf %sub3A_967, %mul3A_970 : vector<1x16800xf32>
    %slice3A_972 = vector.extract_strided_slice %dot_general3A_898 {offsets = [7, 0], sizes = [1, 16800], strides = [1, 1]} : vector<15x16800xf32> to vector<1x16800xf32>
    %sub3A_973 = arith.subf %slice3A_972, %get3A_796 : vector<1x16800xf32>
    %mul3A_974 = arith.constant 1.000000e-01 : f32
    %mul3A_975 = vector.broadcast %mul3A_974 : f32 to vector<1x16800xf32>
    %mul3A_976 = arith.mulf %mul3A_975, %get3A_802 : vector<1x16800xf32>
    %div3A_977 = arith.divf %sub3A_973, %mul3A_976 : vector<1x16800xf32>
    %slice3A_978 = vector.extract_strided_slice %dot_general3A_898 {offsets = [8, 0], sizes = [1, 16800], strides = [1, 1]} : vector<15x16800xf32> to vector<1x16800xf32>
    %sub3A_979 = arith.subf %slice3A_978, %get3A_793 : vector<1x16800xf32>
    %mul3A_980 = arith.constant 1.000000e-01 : f32
    %mul3A_981 = vector.broadcast %mul3A_980 : f32 to vector<1x16800xf32>
    %mul3A_982 = arith.mulf %mul3A_981, %get3A_799 : vector<1x16800xf32>
    %div3A_983 = arith.divf %sub3A_979, %mul3A_982 : vector<1x16800xf32>
    %slice3A_984 = vector.extract_strided_slice %dot_general3A_898 {offsets = [9, 0], sizes = [1, 16800], strides = [1, 1]} : vector<15x16800xf32> to vector<1x16800xf32>
    %sub3A_985 = arith.subf %slice3A_984, %get3A_796 : vector<1x16800xf32>
    %mul3A_986 = arith.constant 1.000000e-01 : f32
    %mul3A_987 = vector.broadcast %mul3A_986 : f32 to vector<1x16800xf32>
    %mul3A_988 = arith.mulf %mul3A_987, %get3A_802 : vector<1x16800xf32>
    %div3A_989 = arith.divf %sub3A_985, %mul3A_988 : vector<1x16800xf32>
    %slice3A_990 = vector.extract_strided_slice %dot_general3A_898 {offsets = [10, 0], sizes = [1, 16800], strides = [1, 1]} : vector<15x16800xf32> to vector<1x16800xf32>
    %sub3A_991 = arith.subf %slice3A_990, %get3A_793 : vector<1x16800xf32>
    %mul3A_992 = arith.constant 1.000000e-01 : f32
    %mul3A_993 = vector.broadcast %mul3A_992 : f32 to vector<1x16800xf32>
    %mul3A_994 = arith.mulf %mul3A_993, %get3A_799 : vector<1x16800xf32>
    %div3A_995 = arith.divf %sub3A_991, %mul3A_994 : vector<1x16800xf32>
    %slice3A_996 = vector.extract_strided_slice %dot_general3A_898 {offsets = [11, 0], sizes = [1, 16800], strides = [1, 1]} : vector<15x16800xf32> to vector<1x16800xf32>
    %sub3A_997 = arith.subf %slice3A_996, %get3A_796 : vector<1x16800xf32>
    %mul3A_998 = arith.constant 1.000000e-01 : f32
    %mul3A_999 = vector.broadcast %mul3A_998 : f32 to vector<1x16800xf32>
    %mul3A_1000 = arith.mulf %mul3A_999, %get3A_802 : vector<1x16800xf32>
    %div3A_1001 = arith.divf %sub3A_997, %mul3A_1000 : vector<1x16800xf32>
    %slice3A_1002 = vector.extract_strided_slice %dot_general3A_898 {offsets = [12, 0], sizes = [1, 16800], strides = [1, 1]} : vector<15x16800xf32> to vector<1x16800xf32>
    %sub3A_1003 = arith.subf %slice3A_1002, %get3A_793 : vector<1x16800xf32>
    %mul3A_1004 = arith.constant 1.000000e-01 : f32
    %mul3A_1005 = vector.broadcast %mul3A_1004 : f32 to vector<1x16800xf32>
    %mul3A_1006 = arith.mulf %mul3A_1005, %get3A_799 : vector<1x16800xf32>
    %div3A_1007 = arith.divf %sub3A_1003, %mul3A_1006 : vector<1x16800xf32>
    %slice3A_1008 = vector.extract_strided_slice %dot_general3A_898 {offsets = [13, 0], sizes = [1, 16800], strides = [1, 1]} : vector<15x16800xf32> to vector<1x16800xf32>
    %sub3A_1009 = arith.subf %slice3A_1008, %get3A_796 : vector<1x16800xf32>
    %mul3A_1010 = arith.constant 1.000000e-01 : f32
    %mul3A_1011 = vector.broadcast %mul3A_1010 : f32 to vector<1x16800xf32>
    %mul3A_1012 = arith.mulf %mul3A_1011, %get3A_802 : vector<1x16800xf32>
    %div3A_1013 = arith.divf %sub3A_1009, %mul3A_1012 : vector<1x16800xf32>
    %concatenate3A_1014 = tpu.concatenate %div3A_959, %div3A_965, %div3A_971, %div3A_977, %div3A_983, %div3A_989, %div3A_995, %div3A_1001, %div3A_1007, %div3A_1013 in 0 : vector<1x16800xf32>, vector<1x16800xf32>, vector<1x16800xf32>, vector<1x16800xf32>, vector<1x16800xf32>, vector<1x16800xf32>, vector<1x16800xf32>, vector<1x16800xf32>, vector<1x16800xf32>, vector<1x16800xf32> -> vector<10x16800xf32>
    %sub3A_1015 = arith.subf %concatenate3A_743, %concatenate3A_1014 : vector<10x16800xf32>
    %abs3A_1016 = math.absf %sub3A_1015 : vector<10x16800xf32>
    %lt3A_1017 = arith.constant 1.000000e+00 : f32
    %lt3A_1018 = vector.broadcast %lt3A_1017 : f32 to vector<10x16800xf32>
    %lt3A_1019 = arith.cmpf olt, %abs3A_1016, %lt3A_1018 : vector<10x16800xf32>
    %mul3A_1020 = arith.constant 5.000000e-01 : f32
    %mul3A_1021 = vector.broadcast %mul3A_1020 : f32 to vector<10x16800xf32>
    %mul3A_1022 = arith.mulf %mul3A_1021, %sub3A_1015 : vector<10x16800xf32>
    %mul3A_1023 = arith.mulf %mul3A_1022, %sub3A_1015 : vector<10x16800xf32>
    %sub3A_1024 = arith.constant 5.000000e-01 : f32
    %sub3A_1025 = vector.broadcast %sub3A_1024 : f32 to vector<10x16800xf32>
    %sub3A_1026 = arith.subf %abs3A_1016, %sub3A_1025 : vector<10x16800xf32>
    %select_n3A_1027 = arith.select %lt3A_1019, %mul3A_1023, %sub3A_1026 : vector<10x16800xi1>, vector<10x16800xf32>
    %mul3A_1028 = vector.broadcast %convert_element_type3A_885 : vector<1x16800xf32> to vector<10x16800xf32>
    %mul3A_1029 = arith.mulf %select_n3A_1027, %mul3A_1028 : vector<10x16800xf32>
    %reduce_sum3A_1030 = vector.shape_cast %mul3A_1029 : vector<10x16800xf32> to vector<1x10x16800xf32>
    %reduce_sum3A_1031 = arith.constant dense<0.000000e+00> : vector<1xf32>
    %reduce_sum3A_1032 = vector.multi_reduction <add>, %reduce_sum3A_1030, %reduce_sum3A_1031 [1, 2] : vector<1x10x16800xf32> to vector<1xf32>
    %reduce_sum3A_1033 = vector.shape_cast %reduce_sum3A_1032 : vector<1xf32> to vector<1x1x1xf32>
    %reduce_sum3A_1034 = vector.extract %reduce_sum3A_1033[0, 0, 0] : f32 from vector<1x1x1xf32>
    %reduce_sum3A_1035 = vector.shape_cast %convert_element_type3A_885 : vector<1x16800xf32> to vector<1x1x16800xf32>
    %reduce_sum3A_1036 = arith.constant dense<0.000000e+00> : vector<1xf32>
    %reduce_sum3A_1037 = vector.multi_reduction <add>, %reduce_sum3A_1035, %reduce_sum3A_1036 [1, 2] : vector<1x1x16800xf32> to vector<1xf32>
    %reduce_sum3A_1038 = vector.shape_cast %reduce_sum3A_1037 : vector<1xf32> to vector<1x1x1xf32>
    %reduce_sum3A_1039 = vector.extract %reduce_sum3A_1038[0, 0, 0] : f32 from vector<1x1x1xf32>
    %abs3A_1040 = math.absf %concatenate3A_786 : vector<1x16800xf32>
    %neg3A_1041 = arith.constant 0.000000e+00 : f32
    %neg3A_1042 = vector.broadcast %neg3A_1041 : f32 to vector<1x16800xf32>
    %neg3A_1043 = arith.subf %neg3A_1042, %abs3A_1040 : vector<1x16800xf32>
    %exp3A_1044 = math.exp %neg3A_1043 : vector<1x16800xf32>
    %log1p3A_1045 = math.log1p %exp3A_1044 : vector<1x16800xf32>
    %max3A_1046 = arith.constant 0.000000e+00 : f32
    %max3A_1047 = vector.broadcast %max3A_1046 : f32 to vector<1x16800xf32>
    %max3A_1048 = arith.maximumf %concatenate3A_786, %max3A_1047 : vector<1x16800xf32>
    %add3A_1049 = arith.addf %log1p3A_1045, %max3A_1048 : vector<1x16800xf32>
    %sub3A_1050 = arith.subf %add3A_1049, %concatenate3A_786 : vector<1x16800xf32>
    %mul3A_1051 = arith.mulf %convert_element_type3A_885, %sub3A_1050 : vector<1x16800xf32>
    %reduce_sum3A_1052 = vector.shape_cast %mul3A_1051 : vector<1x16800xf32> to vector<1x1x16800xf32>
    %reduce_sum3A_1053 = arith.constant dense<0.000000e+00> : vector<1xf32>
    %reduce_sum3A_1054 = vector.multi_reduction <add>, %reduce_sum3A_1052, %reduce_sum3A_1053 [1, 2] : vector<1x1x16800xf32> to vector<1xf32>
    %reduce_sum3A_1055 = vector.shape_cast %reduce_sum3A_1054 : vector<1xf32> to vector<1x1x1xf32>
    %reduce_sum3A_1056 = vector.extract %reduce_sum3A_1055[0, 0, 0] : f32 from vector<1x1x1xf32>
    %sub3A_1057 = arith.constant 1.000000e+00 : f32
    %sub3A_1058 = vector.broadcast %sub3A_1057 : f32 to vector<1x16800xf32>
    %sub3A_1059 = arith.subf %sub3A_1058, %convert_element_type3A_885 : vector<1x16800xf32>
    %mul3A_1060 = arith.mulf %sub3A_1059, %add3A_1049 : vector<1x16800xf32>
    %swap3A_1061 = arith.constant 1 : index
    %swap3A_1062 = arith.constant 0 : index
    %swap3A_1063 = arith.constant 0 : index
    %swap3A_1064 = vector.load %arg8[%swap3A_1061, %swap3A_1062, %swap3A_1063] : memref<2x1x16800xf32, #tpu.memory_space<vmem>>, vector<1x1x16800xf32>
    %swap3A_1065 = vector.shape_cast %swap3A_1064 : vector<1x1x16800xf32> to vector<1x16800xf32>
    %swap3A_1066 = vector.shape_cast %mul3A_1060 : vector<1x16800xf32> to vector<1x1x16800xf32>
    tpu.vector_store %arg8[%swap3A_1061, %swap3A_1062, %swap3A_1063], %swap3A_1066 {strides = array<i32>} : memref<2x1x16800xf32, #tpu.memory_space<vmem>>, vector<1x1x16800xf32>,
    %reduce_max3A_1067 = vector.shape_cast %mul3A_1060 : vector<1x16800xf32> to vector<1x1x16800xf32>
    %reduce_max3A_1068 = arith.constant dense<0xFF800000> : vector<1xf32>
    %reduce_max3A_1069 = vector.multi_reduction <maximumf>, %reduce_max3A_1067, %reduce_max3A_1068 [1, 2] : vector<1x1x16800xf32> to vector<1xf32>
    %reduce_max3A_1070 = vector.shape_cast %reduce_max3A_1069 : vector<1xf32> to vector<1x1x1xf32>
    %reduce_max3A_1071 = vector.extract %reduce_max3A_1070[0, 0, 0] : f32 from vector<1x1x1xf32>
    %broadcast_in_dim3A_1072 = vector.broadcast %reduce_sum3A_1039 : f32 to vector<1x128xf32>
    %broadcast_in_dim3A_1073 = vector.broadcast %reduce_max3A_1071 : f32 to vector<1x128xf32>
    %concatenate3A_1074 = tpu.concatenate %broadcast_in_dim3A_1072, %broadcast_in_dim3A_1073 in 1 : vector<1x128xf32>, vector<1x128xf32> -> vector<1x256xf32>
    %swap3A_1075 = arith.constant 1 : index
    %swap3A_1076 = arith.constant 0 : index
    %swap3A_1077 = arith.constant 0 : index
    %swap3A_1078 = vector.load %arg9[%swap3A_1075, %swap3A_1076, %swap3A_1077] : memref<2x1x256xf32, #tpu.memory_space<vmem>>, vector<1x1x256xf32>
    %swap3A_1079 = vector.shape_cast %swap3A_1078 : vector<1x1x256xf32> to vector<1x256xf32>
    %swap3A_1080 = vector.shape_cast %concatenate3A_1074 : vector<1x256xf32> to vector<1x1x256xf32>
    tpu.vector_store %arg9[%swap3A_1075, %swap3A_1076, %swap3A_1077], %swap3A_1080 {strides = array<i32>} : memref<2x1x256xf32, #tpu.memory_space<vmem>>, vector<1x1x256xf32>,
    %get3A_1081 = arith.constant 0 : index
    %get3A_1082 = memref.load %arg14[%get3A_1081] : memref<4xf32, #tpu.memory_space<smem>>
    %add3A_1083 = arith.addf %get3A_1082, %reduce_sum3A_1056 : f32
    %swap3A_1084 = arith.constant 0 : index
    %swap3A_1085 = memref.load %arg14[%swap3A_1084] : memref<4xf32, #tpu.memory_space<smem>>
    memref.store %add3A_1083, %arg14[%swap3A_1084] : memref<4xf32, #tpu.memory_space<smem>>
    %get3A_1086 = arith.constant 1 : index
    %get3A_1087 = memref.load %arg14[%get3A_1086] : memref<4xf32, #tpu.memory_space<smem>>
    %add3A_1088 = arith.addf %get3A_1087, %reduce_sum3A_953 : f32
    %swap3A_1089 = arith.constant 1 : index
    %swap3A_1090 = memref.load %arg14[%swap3A_1089] : memref<4xf32, #tpu.memory_space<smem>>
    memref.store %add3A_1088, %arg14[%swap3A_1089] : memref<4xf32, #tpu.memory_space<smem>>
    %get3A_1091 = arith.constant 2 : index
    %get3A_1092 = memref.load %arg14[%get3A_1091] : memref<4xf32, #tpu.memory_space<smem>>
    %add3A_1093 = arith.addf %get3A_1092, %reduce_sum3A_1034 : f32
    %swap3A_1094 = arith.constant 2 : index
    %swap3A_1095 = memref.load %arg14[%swap3A_1094] : memref<4xf32, #tpu.memory_space<smem>>
    memref.store %add3A_1093, %arg14[%swap3A_1094] : memref<4xf32, #tpu.memory_space<smem>>
    %get3A_1096 = arith.constant 3 : index
    %get3A_1097 = memref.load %arg14[%get3A_1096] : memref<4xf32, #tpu.memory_space<smem>>
    %add3A_1098 = arith.addf %get3A_1097, %reduce_sum3A_1039 : f32
    %swap3A_1099 = arith.constant 3 : index
    %swap3A_1100 = memref.load %arg14[%swap3A_1099] : memref<4xf32, #tpu.memory_space<smem>>
    memref.store %add3A_1098, %arg14[%swap3A_1099] : memref<4xf32, #tpu.memory_space<smem>>
    %get3A_1101 = arith.constant 0 : index
    %get3A_1102 = memref.load %arg14[%get3A_1101] : memref<4xf32, #tpu.memory_space<smem>>
    %swap3A_1103 = arith.constant 0 : index
    %swap3A_1104 = arith.constant 0 : index
    %swap3A_1105 = memref.load %arg10[%swap3A_1103, %swap3A_1104] : memref<1x1xf32, #tpu.memory_space<smem>>
    memref.store %get3A_1102, %arg10[%swap3A_1103, %swap3A_1104] : memref<1x1xf32, #tpu.memory_space<smem>>
    %get3A_1106 = arith.constant 1 : index
    %get3A_1107 = memref.load %arg14[%get3A_1106] : memref<4xf32, #tpu.memory_space<smem>>
    %swap3A_1108 = arith.constant 0 : index
    %swap3A_1109 = arith.constant 0 : index
    %swap3A_1110 = memref.load %arg11[%swap3A_1108, %swap3A_1109] : memref<1x1xf32, #tpu.memory_space<smem>>
    memref.store %get3A_1107, %arg11[%swap3A_1108, %swap3A_1109] : memref<1x1xf32, #tpu.memory_space<smem>>
    %get3A_1111 = arith.constant 2 : index
    %get3A_1112 = memref.load %arg14[%get3A_1111] : memref<4xf32, #tpu.memory_space<smem>>
    %swap3A_1113 = arith.constant 0 : index
    %swap3A_1114 = arith.constant 0 : index
    %swap3A_1115 = memref.load %arg12[%swap3A_1113, %swap3A_1114] : memref<1x1xf32, #tpu.memory_space<smem>>
    memref.store %get3A_1112, %arg12[%swap3A_1113, %swap3A_1114] : memref<1x1xf32, #tpu.memory_space<smem>>
    %get3A_1116 = arith.constant 3 : index
    %get3A_1117 = memref.load %arg14[%get3A_1116] : memref<4xf32, #tpu.memory_space<smem>>
    %swap3A_1118 = arith.constant 0 : index
    %swap3A_1119 = arith.constant 0 : index
    %swap3A_1120 = memref.load %arg13[%swap3A_1118, %swap3A_1119] : memref<1x1xf32, #tpu.memory_space<smem>>
    memref.store %get3A_1117, %arg13[%swap3A_1118, %swap3A_1119] : memref<1x1xf32, #tpu.memory_space<smem>>
    return
  }
  func.func @transform_0(%arg0: i32) -> (i32, i32, i32) {
    %c0_i32 = arith.constant 0 : i32
    %c0_i32_0 = arith.constant 0 : i32
    %c0_i32_1 = arith.constant 0 : i32
    return %arg0, %c0_i32, %c0_i32_0 : i32, i32, i32
  }
  func.func @transform_1(%arg0: i32) -> (i32, i32, i32) {
    %c0_i32 = arith.constant 0 : i32
    %c0_i32_0 = arith.constant 0 : i32
    %c0_i32_1 = arith.constant 0 : i32
    return %arg0, %c0_i32, %c0_i32_0 : i32, i32, i32
  }
  func.func @transform_2(%arg0: i32) -> (i32, i32, i32) {
    %c0_i32 = arith.constant 0 : i32
    %c0_i32_0 = arith.constant 0 : i32
    %c0_i32_1 = arith.constant 0 : i32
    return %arg0, %c0_i32, %c0_i32_0 : i32, i32, i32
  }
  func.func @transform_3(%arg0: i32) -> (i32, i32) {
    %c0_i32 = arith.constant 0 : i32
    %c0_i32_0 = arith.constant 0 : i32
    %c0_i32_1 = arith.constant 0 : i32
    return %c0_i32, %c0_i32_0 : i32, i32
  }
  func.func @transform_4(%arg0: i32) -> (i32, i32) {
    %c0_i32 = arith.constant 0 : i32
    %c0_i32_0 = arith.constant 0 : i32
    %c0_i32_1 = arith.constant 0 : i32
    return %c0_i32, %c0_i32_0 : i32, i32
  }
  func.func @transform_5(%arg0: i32) -> (i32, i32, i32) {
    %c0_i32 = arith.constant 0 : i32
    %c0_i32_0 = arith.constant 0 : i32
    %c0_i32_1 = arith.constant 0 : i32
    return %arg0, %c0_i32, %c0_i32_0 : i32, i32, i32
  }
  func.func @transform_6(%arg0: i32) -> (i32, i32, i32) {
    %c0_i32 = arith.constant 0 : i32
    %c0_i32_0 = arith.constant 0 : i32
    %c0_i32_1 = arith.constant 0 : i32
    return %arg0, %c0_i32, %c0_i32_0 : i32, i32, i32
  }
  func.func @transform_7(%arg0: i32) -> (i32, i32, i32) {
    %c0_i32 = arith.constant 0 : i32
    %c0_i32_0 = arith.constant 0 : i32
    %c0_i32_1 = arith.constant 0 : i32
    return %arg0, %c0_i32, %c0_i32_0 : i32, i32, i32
  }
  func.func @transform_8(%arg0: i32) -> (i32, i32, i32) {
    %c0_i32 = arith.constant 0 : i32
    %c0_i32_0 = arith.constant 0 : i32
    %c0_i32_1 = arith.constant 0 : i32
    return %arg0, %c0_i32, %c0_i32_0 : i32, i32, i32
  }
  func.func @transform_9(%arg0: i32) -> (i32, i32) {
    %c0_i32 = arith.constant 0 : i32
    %c0_i32_0 = arith.constant 0 : i32
    %c0_i32_1 = arith.constant 0 : i32
    return %c0_i32, %c0_i32_0 : i32, i32
  }
  func.func @transform_10(%arg0: i32) -> (i32, i32) {
    %c0_i32 = arith.constant 0 : i32
    %c0_i32_0 = arith.constant 0 : i32
    %c0_i32_1 = arith.constant 0 : i32
    return %c0_i32, %c0_i32_0 : i32, i32
  }
  func.func @transform_11(%arg0: i32) -> (i32, i32) {
    %c0_i32 = arith.constant 0 : i32
    %c0_i32_0 = arith.constant 0 : i32
    %c0_i32_1 = arith.constant 0 : i32
    return %c0_i32, %c0_i32_0 : i32, i32
  }
  func.func @transform_12(%arg0: i32) -> (i32, i32) {
    %c0_i32 = arith.constant 0 : i32
    %c0_i32_0 = arith.constant 0 : i32
    %c0_i32_1 = arith.constant 0 : i32
    return %c0_i32, %c0_i32_0 : i32, i32
  }
}

</mosaic_0001>

<sc_bundles>
// kernel: gather_offload_async_start
scs
__scs_entry_jumppad:
0x0: {  	(pc) =	sbr.rel $0x88, $3  }
0x1: {  	(tag) =	ssettag $0x0;
	lr =	simm.s32 $0x1  }
0x2: {  	[smem:$0x3F9C] =	sst lr;
	_ =	strace $0xD0000000  }
0x3: {  	_ = 	snop  }
0x4: {  	_ = 	snop  }
0x5: {  	_ = 	snop  }
0x6: {  	_ = 	snop  }
0x7: {  	_ = 	snop  }
__scs_overlays_trampoline_lowered:
0x8: {  	[smem:$0x3FAB] =	sst s0  }
0x9: {  	[smem:$0x3FAC] =	sst s1  }
0xa: {  	[smem:$0x3FAD] =	sst s2  }
0xb: {  	[smem:$0x3FAE] =	sst s3  }
0xc: {  	[smem:$0x3FAF] =	sst s4  }
0xd: {  	[smem:$0x3FB0] =	sst s5  }
0xe: {  	[smem:$0x3FB1] =	sst s6  }
0xf: {  	[smem:$0x3FB2] =	sst s7  }
0x10: {  	[smem:$0x3FB3] =	sst s8  }
0x11: {  	[smem:$0x3FB4] =	sst s9;
	s0 =	simm.s32 @!p0 $0x0  }
0x12: {  	s1 =	sld [smem:$0x3F9A];
	s0 =	simm.s32 @p0 $0x1  }
0x13: {  	[smem:$0x3FB5] =	sst s0;
	s0 =	simm.s32 @!p1 $0x0  }
0x14: {  	s2 =	sld [smem:$0x3F99];
	s0 =	simm.s32 @p1 $0x1  }
0x15: {  	[smem:$0x3FB6] =	sst s0;
	s0 =	simm.s32 @!p2 $0x0  }
0x16: {  	s3 =	sld [smem:$0x3FDB];
	s0 =	simm.s32 @p2 $0x1  }
0x17: {  	s4 =	simm.s32 $0x1BF5;
	[smem:$0x3FB8] =	sst s0  }
0x18: {  	s0 =	sld [smem:$0x3F9B];
	_ =	swait.ge [sflag:s4], $0x0  }
0x19: {  	s7 =	sld [smem:$0x3F9C]  }
0x1a: {  	s8 =	sadd.s32 $0xFFFFE003, lr  }
0x1b: {  	s9 =	sadd.s32 $0xFFFFFEF7, lr;
	s5 =	simm.s32 $0xFFFFFFFF;
	p2 =	slt.u32 s8, $0xFFFFF086  }
0x1c: {  	p1 =	slt.u32 s9, $0xF7A;
	s5 =	simm.s32 @!p2 $0x0  }
0x1d: {  	s5 =	simm.s32 @p1 $0x1;
	p0 =	seq.s32 s7, s2  }
0x1e: {  	s7 =	smul.u32 @!p0 $0xF7A, s2;
	p2 =	seq.s32 @!p0 s5, $0x0  }
0x1f: {  	s9 =	smul.u32 $0xF7A, s1;
	s8 =	simm.s32 @!p0 $0x1BF5;
	p2 =	por !p2, p0  }
0x20: {  	[sflag:s8] =	ssyncset.s32 @!p0 $0xFFFFF086;
	s6 =	sadd.s32 @!p0 s3, s7;
	s7 =	simm.s32 @!p0 $0x108  }
0x21: {  	s3 =	sadd.s32 s3, s9;
	s6 =	sadd.s32 @!p0 $0x88, s6;
	s7 =	simm.s32 @p2 $0x1082  }
0x22: {  	[simem:s7], [sflag:s8] =	dma.local @!p0 [hbm:s6], $0xF7A  }
0x23: {  	s9 =	sor.u32 $0xD0000000, s2;
	s6 =	simm.s32 $0x108;
	_ =	swait.ge @!p0 [sflag:s8], $0x0  }
0x24: {  	s3 =	sadd.s32 $0x88, s3;
	s6 =	simm.s32 @!p1 $0x1082;
	[sflag:s4] =	ssyncset.s32 $0xFFFFF086  }
0x25: {  	[simem:s6], [sflag:s4] =	dma.local [hbm:s3], $0xF7A  }
0x26: {  	[smem:$0x3F9C] =	sst s1;
	(tag) =	ssettag s2;
	_ =	strace s9  }
0x27: {  	s1 =	sld [smem:$0x3FAC]  }
0x28: {  	s2 =	sld [smem:$0x3FAD]  }
0x29: {  	s4 =	sld [smem:$0x3FAF]  }
0x2a: {  	p0 =	seq.s32 s5, $0x0;
	s5 =	sld [smem:$0x3FB0]  }
0x2b: {  	s6 =	sld [smem:$0x3FB1]  }
0x2c: {  	s7 =	sld [smem:$0x3FB2]  }
0x2d: {  	s3 =	simm.s32 $0x108;
	s8 =	sld [smem:$0x3FB3]  }
0x2e: {  	s3 =	simm.s32 @!p0 $0x1082;
	s9 =	sld [smem:$0x3FB4]  }
0x2f: {  	lr =	sadd.s32 s0, s3;
	s0 =	sld [smem:$0x3FAB]  }
0x30: {  	s3 =	sld [smem:$0x3FAE]  }
0x31: {  	[smem:$0x3FB7] =	sst s10  }
0x32: {  	s10 =	sld [smem:$0x3FB5];
	_ =	sdelay $0x3  }
0x33: {  	p0 =	seq.s32 s10, $0x1;
	s10 =	sld [smem:$0x3FB7];
	_ =	sdelay $0x3  }
0x34: {  	[smem:$0x3FB7] =	sst s10  }
0x35: {  	s10 =	sld [smem:$0x3FB6];
	_ =	sdelay $0x3  }
0x36: {  	p1 =	seq.s32 s10, $0x1;
	s10 =	sld [smem:$0x3FB7];
	_ =	sdelay $0x3  }
0x37: {  	[smem:$0x3FB7] =	sst s10  }
0x38: {  	s10 =	sld [smem:$0x3FB8]  }
0x39: {  	_ = 	snop;
	(pc) =	sbr.ind lr, $3  }
0x3a: {  	_ = 	snop  }
0x3b: {  	_ = 	snop  }
0x3c: {  	p2 =	seq.s32 s10, $0x1;
	s10 =	sld [smem:$0x3FB7]  }
0x3d: {  	_ =	shalt  }
0x3e: {  	_ =	shalt  }
0x3f: {  	_ =	shalt  }
0x40: {  	_ =	shalt  }
0x41: {  	_ =	shalt  }
0x42: {  	_ =	shalt  }
0x43: {  	_ =	shalt  }
0x44: {  	_ =	shalt  }
0x45: {  	_ =	shalt  }
0x46: {  	_ =	shalt  }
0x47: {  	_ =	shalt  }
0x48: {  	_ =	shalt  }
0x49: {  	_ =	shalt  }
0x4a: {  	_ =	shalt  }
0x4b: {  	_ =	shalt  }
0x4c: {  	_ =	shalt  }
0x4d: {  	_ =	shalt  }
0x4e: {  	_ =	shalt  }
0x4f: {  	_ =	shalt  }
0x50: {  	_ =	shalt  }
0x51: {  	_ =	shalt  }
0x52: {  	_ =	shalt  }
0x53: {  	_ =	shalt  }
0x54: {  	_ =	shalt  }
0x55: {  	_ =	shalt  }
0x56: {  	_ =	shalt  }
0x57: {  	_ =	shalt  }
0x58: {  	_ =	shalt  }
0x59: {  	_ =	shalt  }
0x5a: {  	_ =	shalt  }
0x5b: {  	_ =	shalt  }
0x5c: {  	_ =	shalt  }
0x5d: {  	_ =	shalt  }
0x5e: {  	_ =	shalt  }
0x5f: {  	_ =	shalt  }
0x60: {  	_ =	shalt  }
0x61: {  	_ =	shalt  }
0x62: {  	_ =	shalt  }
0x63: {  	_ =	shalt  }
0x64: {  	_ =	shalt  }
0x65: {  	_ =	shalt  }
0x66: {  	_ =	shalt  }
0x67: {  	_ =	shalt  }
0x68: {  	_ =	shalt  }
0x69: {  	_ =	shalt  }
0x6a: {  	_ =	shalt  }
0x6b: {  	_ =	shalt  }
0x6c: {  	_ =	shalt  }
0x6d: {  	_ =	shalt  }
0x6e: {  	_ =	shalt  }
0x6f: {  	_ =	shalt  }
0x70: {  	_ =	shalt  }
0x71: {  	_ =	shalt  }
0x72: {  	_ =	shalt  }
0x73: {  	_ =	shalt  }
0x74: {  	_ =	shalt  }
0x75: {  	_ =	shalt  }
0x76: {  	_ =	shalt  }
0x77: {  	_ =	shalt  }
0x78: {  	_ =	shalt  }
0x79: {  	_ =	shalt  }
0x7a: {  	_ =	shalt  }
0x7b: {  	_ =	shalt  }
0x7c: {  	_ =	shalt  }
0x7d: {  	_ =	shalt  }
0x7e: {  	_ =	shalt  }
0x7f: {  	_ =	shalt  }
0x80: {  	_ =	shalt  }
0x81: {  	_ =	shalt  }
0x82: {  	_ =	shalt  }
0x83: {  	_ =	shalt  }
0x84: {  	_ =	shalt  }
0x85: {  	_ =	shalt  }
0x86: {  	_ =	shalt  }
0x87: {  	_ =	shalt  }
.Lfunc_end0:
.L_simem_size_0:
called_computation_lowered:
.L_overlay_start_0:
0x88: {  	s2 =	sld [smem:$0x3FD9]  }
0x89: {  	s3 =	sld [smem:$0x3FFE];
	_ =	sdelay $0x1  }
0x8a: {  	s1 =	srdreg.scid  }
0x8b: {  	s0 =	sand.u32 $0x1, s1  }
0x8c: {  	s16 =	sshll.u32 s0, $0xA;
	s2 =	sadd.s32 s3, s2  }
0x8d: {  	s2 =	sadd.s32 s2, s16  }
0x8e: {  	[smem:$0x3FC3] =	sst s2  }
0x8f: {  	_ = 	snop  }
0x90: {  	(tm) =	ssettm $0x1  }
0x91: {  	s17 =	sld [smem:$0x3FFB];
	_ =	sdelay $0x3  }
0x92: {  	_ =	strace s17  }
0x93: {  	s2 =	sld [smem:$0x3FFC];
	_ =	sdelay $0x3  }
0x94: {  	_ =	strace s2  }
0x95: {  	s2 =	sld [smem:$0x3FFD];
	_ =	sdelay $0x3  }
0x96: {  	_ =	strace s2  }
0x97: {  	_ =	strace $0x8FFFFFFF  }
0x98: {  	s18 =	sld [smem:$0x3FDB];
	_ =	sdelay $0x1  }
0x99: {  	s19 =	simm.s32 $_scs_section_size  }
0x9a: {  	s4 =	simm.s32 $_size__tile_overlayer_lowered;
	s5 =	simm.s32 $_tile_overlayer_lowered  }
0x9b: {  	s22 =	simm.s32 $0x1BFF;
	s21 =	sshll.u32 s5, $0x1;
	s2 =	sadd.s32 s19, s18  }
0x9c: {  	s6 =	simm.s32 $0x0;
	s20 =	sshll.u32 s4, $0x1;
	s4 =	sadd.s32 s21, s2  }
0x9d: {  	[timem:s6], [sflag:s22] =	dma.local [hbm:s4], s20  }
0x9e: {  	_ =	swait.ge [sflag:s22], s20  }
0x9f: {  	s3 =	ssub.s32 $0x0, s20;
	[sflag:s22] =	ssyncset.done $0x0  }
0xa0: {  	[sflag:s22] =	ssyncadd.s32 s3;
	_ =	sdelay $0x1  }
0xa1: {  	s23 =	simm.s32 $0x1B8B  }
0xa2: {  	_ =	swait.ge [sflag:s23], $0x1  }
0xa3: {  	[sflag:s23] =	ssyncset.done $0x0  }
0xa4: {  	s25 =	simm.s32 $0x1B8E;
	s24 =	sld [smem:$0x3FFE];
	[sflag:s23] =	ssyncadd.s32 $0xFFFFFFFF  }
0xa5: {  	s26 =	simm.s32 $execute0_lowered;
	[smem:$0x3FD2] =	sst s25  }
0xa6: {  	s4 =	sshll.u32 s26, $0x1;
	_ =	strace $0x80000046;
	[dreg:$0x1] =	wrdreg $0xFFFFFFFF  }
0xa7: {  	s28 =	simm.s32 $_size_execute0_lowered;
	s2 =	sadd.s32 s2, s4;
	[dreg:$0x0] =	wrdreg $0x0  }
0xa8: {  	s4 =	sshll.u32 s28, $0x1;
	[dreg:$0x2] =	wrdreg s2  }
0xa9: {  	[dreg:$0x3] =	wrdreg s4  }
0xaa: {  	[dreg:$0x4] =	wrdreg $0xC0  }
0xab: {  	_ =	task [dreg:s6], $0x5FFFF  }
0xac: {  	[dreg:$0x1] =	wrdreg $0xFFFFFFFF  }
0xad: {  	[dreg:$0x0] =	wrdreg $0x60  }
0xae: {  	[dreg:$0x2] =	wrdreg s24  }
0xaf: {  	[dreg:$0x3] =	wrdreg $0x9  }
0xb0: {  	_ =	task.clear_ibuf [dreg:s6], $0x4FFFF;
	_ =	strace $0x90000046  }
0xb1: {  	s29 =	simm.s32 $0x9;
	_ =	strace $0x80000048  }
0xb2: {  	_ =	swait.ge [sflag:s29], $0x1  }
0xb3: {  	[sflag:s29] =	ssyncadd.s32 $0xFFFFFFFF  }
0xb4: {  	_ =	strace $0x90000048  }
0xb5: {  	_ =	sfence  }
0xb6: {  	s30 =	sld [smem:$0x0];
	_ =	sdelay $0x2  }
0xb7: {  	s31 =	sshll.u32 s1, $0xD;
	s1 =	sshrl.u32 s1, $0x2  }
0xb8: {  	s3 =	sand.u32 $0x4000, s31;
	s1 =	sadd.s32 s1, s30  }
0xb9: {  	s0 =	sor.u32 s3, s0;
	s1 =	sshll.u32 s1, $0x11  }
0xba: {  	s0 =	sor.u32 s1, s0  }
0xbb: {  	s0 =	sadd.s32 $0x8F2B, s0  }
0xbc: {  	[sflag:s0] =	ssyncadd.remote.s32 $0x1  }
0xbd: {  	_ =	sfence.sel $0xFFFF  }
0xbe: {  	[dreg:$0x0] =	wrdreg $0xFFFFFFFF;
	(pc) =	sbr.abs _section_cstart, $3  }
0xbf: {  	[dreg:$0x1] =	wrdreg $0xFFFFFFFF  }
0xc0: {  	_ =	task.clear_ibuf [dreg:s6], $0x2FFFF;
	_ =	strace $0x9FFFFFFF  }
0xc1: {  	(tm) =	ssettm $0x7FFFFFFF  }
tec
execute0_lowered:
.L_overlay_start_1:
0x0: {  	(tag) =	ssettag $0x1  }
0x1: {  	s0 =	srdreg.scid  }
0x2: {  	s1 =	sshll.u32 s0, $0x4  }
0x3: {  	s0 =	stileid.u32;
	s1 =	sand.u32 $0x10, s1  }
0x4: {  	s2 =	sor.u32 s0, s1  }
0x5: {  	s1 =	smin.u32 s2, $0x12  }
0x6: {  	s1 =	sadd.s32 s2, s1  }
0x7: {  	p0 =	slt.u32 s2, $0x12;
	s2 =	simm.s32 $0x2A0;
	s1 =	smul.u32 $0x150, s1  }
0x8: {  	s2 =	simm.s32 @!p0 $0x150  }
0x9: {  	s2 =	sadd.s32 s2, s1  }
0xa: {  	s3 =	smin.u32 s2, $0x41A0  }
0xb: {  	s7 =	ssub.s32 s3, s1  }
0xc: {  	p0 =	sgt.s32 s7, $0x0  }
0xd: {  	s7 =	simm.s32 @!p0 $0x0  }
0xe: {  	s31 =	sand.u32 $0xFFF0, s7  }
0xf: {  	s2 =	sshrl.u32 s31, $0x4  }
0x10: {  	s2 =	smul.u32 $0xC31, s2  }
0x11: {  	s9 =	rddreg [dreg:$0x0];
	s6 =	simm.s32 $0x1;
	s11 =	simm.s32 $0x3  }
0x12: {  	s13 =	simm.s32 $0x0;
	s12 =	simm.s32 $0x0;
	s8 =	sshrl.u32 s2, $0x10  }
0x13: {  	s4 =	sadd.s32 $0x3800, s9;
	s5 =	sadd.s32 $0x45200, s9;
	s10 =	smul.u32 $0x150, s8  }
.Ltmp0:
0x14: {  	s9 =	sadd.s32 $0x45C00, s9;
	s2 =	rddreg [dreg:$0x1];
	(pc) =	sbr.rel .LBB2_1-.Ltmp0, $4  }
0x15: {  	_ =	strace $0x80000047;
	p0 =	sne.s32 s7, s10;
	s10 =	simm.s32 $0x1  }
0x16: {  	[sflag:s6] =	ssyncpa.u1 $0x0;
	s7 =	simm.s32 $0x2;
	s10 =	simm.s32 @!p0 $0x0  }
0x17: {  	[sflag:s7] =	ssyncpa.u1 $0x0;
	p0 =	por $0x0, $0x0;
	s8 =	sadd.s32 s8, s10  }
0x18: {  	vm0 =	vmmov $0xff;
	vm1 =	vcmask $0x3F20;
	[sflag:s11] =	ssyncpa.u1 $0x0;
	s11 =	smov.u32 s1;
	s10 =	sadd.s32 $0x1, s8  }
.LBB2_6:
0x19: {  	[hbm:s17] =	stream.linear.scatter [tilespmem:s14], [sflag:$0x3], $0x400, $0x38;
	[tilespmem:$0x152A0] =	vst v63  }
.LBB2_7:
0x1a: {  	s13 =	sadd.s32 $0x150, s11  }
0x1b: {  	s15 =	smov.u32 s1;
	p2 =	slt.s32 s13, s3  }
0x1c: {  	s15 =	smov.u32 @p2 s13;
	p2 =	sne.s32 s12, s10  }
.Ltmp1:
0x1d: {  	p1 =	slt.u32 s12, $0x2;
	(pc) =	sbr.rel @!p2 .LBB2_8-.Ltmp1, $4  }
0x1e: {  	s14 =	simm.s32 @!p1 $0x3  }
0x1f: {  	s16 =	sadd.s32 $0x1, s12;
	_ =	swait.ge @!p1 [sflag:s14], $0xA800  }
0x20: {  	p0 =	por !p0, !p0;
	s13 =	smov.u32 s11;
	[sflag:s14] =	ssyncset.done @!p1 $0x0  }
0x21: {  	s12 =	smov.u32 s16;
	s11 =	smov.u32 s15;
	[sflag:s14] =	ssyncadd.s32 @!p1 $0xFFFF5800  }
.LBB2_1:
0x22: {  	p1 =	sge.u32 s12, s8  }
0x23: {  	s14 =	sxor.u32 @!p1 $0xFFFFFFFF, s12  }
0x24: {  	s14 =	sand.u32 @!p1 $0x1, s14  }
0x25: {  	s14 =	smul.u32 @!p1 $0x540, s14  }
0x26: {  	s31 =	sadd.s32 $0xFFFFFFFF, s12;
	s15 =	sshrl.u32 @!p1 s11, $0x3  }
0x27: {  	s16 =	sand.u32 @!p1 $0x7, s11;
	s15 =	sadd.s32 @!p1 s5, s15;
	s14 =	sshrl.u32 @!p1 s14, $0x2  }
0x28: {  	[tilespmem:s14], [sflag:$0x2] =	stream.linear.gather @!p1 [hbm4b:s15+s16], $0x150, $0x38;
	[tilespmem:$0x152A0] =	vst v63  }
0x29: {  	p1 =	sge.u32 s31, s8  }
.Ltmp2:
0x2a: {  	_ = 	snop;
	(pc) =	sbr.rel @p1 .LBB2_7-.Ltmp2, $1  }
0x2b: {  	_ =	sdelay $0x3  }
0x2c: {  	s14 =	simm.s32 $0x1  }
0x2d: {  	s14 =	simm.s32 @!p0 $0x0  }
0x2e: {  	s15 =	smul.u32 $0x540, s14  }
0x2f: {  	_ =	swait.ge [sflag:s7], $0x150  }
0x30: {  	[sflag:s7] =	ssyncset.done $0x0;
	s16 =	sshrl.u32 s15, $0x2  }
0x31: {  	[sflag:s7] =	ssyncadd.s32 $0xFFFFFEB0;
	s15 =	sadd.s32 $0x0, s16  }
0x32: {  	v0 =	vld.msk [tilespmem:s15+$0x0 ss:$0x1], $0xffff;
	_ =	sdelay $0x4  }
0x33: {  	vm2 =	vgt.s32 v0, $0x0  }
0x34: {  	v0 =	vnsel vm2, $0x0, v0  }
0x35: {  	v0 =	vmin.u32 v0, $0x419F  }
0x36: {  	v0 =	vshll.u32 v0, $0x4  }
0x37: {  	s14 =	smul.u32 $0x2A000, s14;
	_ =	sdelay $0x1  }
0x38: {  	s14 =	sshrl.u32 s14, $0x2  }
0x39: {  	s14 =	sor.u32 $0x2A0, s14  }
0x3a: {  	[tilespmem:s14], [sflag:$0x1] =	stream.indirect_vreg.gather [hbm:s4], $0x80, v0, vm0, $0x38;
	[tilespmem:$0x152A0] =	vst v63  }
0x3b: {  	s17 =	sadd.s32 $0x10, s16;
	s15 =	sadd.s32 $0x400, s14  }
0x3c: {  	[tilespmem:s15], [sflag:$0x1] =	stream.indirect_vreg.gather [hbm:s4], $0x80, v0, vm1, $0x38;
	[tilespmem:$0x152A0] =	vst v63  }
0x3d: {  	s18 =	simm.s32 $0x80;
	v0 =	vld.msk [tilespmem:s17+$0x0 ss:$0x1], $0xffff;
	s17 =	smov.u32 s14  }
.LBB2_3:
0x3e: {  	p1 =	sne.s32 s18, $0x500;
	_ =	sdelay $0x4  }
0x3f: {  	vm2 =	vgt.s32 v0, $0x0  }
0x40: {  	v0 =	vnsel vm2, $0x0, v0  }
0x41: {  	v0 =	vmin.u32 v0, $0x419F  }
0x42: {  	v0 =	vshll.u32 v0, $0x4;
	_ =	sdelay $0x3  }
.Ltmp3:
0x43: {  	s19 =	sshra.s32 s18, $0x2;
	s17 =	sadd.s32 $0x800, s17;
	(pc) =	sbr.rel @p1 .LBB2_3-.Ltmp3, $4  }
0x44: {  	[tilespmem:s17], [sflag:$0x1] =	stream.indirect_vreg.gather [hbm:s4], $0x80, v0, vm0, $0x38;
	[tilespmem:$0x152A0] =	vst v63  }
0x45: {  	s19 =	sadd.s32 s19, s16;
	s20 =	sadd.s32 $0x400, s17  }
0x46: {  	[tilespmem:s20], [sflag:$0x1] =	stream.indirect_vreg.gather [hbm:s4], $0x80, v0, vm1, $0x38;
	[tilespmem:$0x152A0] =	vst v63  }
0x47: {  	s18 =	sadd.s32 $0x40, s18;
	v0 =	vld.msk [tilespmem:s19+$0x0 ss:$0x1], $0xffff  }
0x48: {  	_ =	sdelay $0x3  }
0x49: {  	vm2 =	vgt.s32 v0, $0x0  }
0x4a: {  	v0 =	vnsel vm2, $0x0, v0  }
0x4b: {  	v0 =	vmin.u32 v0, $0x419F  }
0x4c: {  	v0 =	vshll.u32 v0, $0x4;
	_ =	sdelay $0x3  }
0x4d: {  	s16 =	sadd.s32 $0x800, s17  }
0x4e: {  	[tilespmem:s16], [sflag:$0x1] =	stream.indirect_vreg.gather [hbm:s4], $0x80, v0, vm0, $0x38;
	[tilespmem:$0x152A0] =	vst v63  }
0x4f: {  	s16 =	sadd.s32 $0x400, s16  }
0x50: {  	[tilespmem:s16], [sflag:$0x1] =	stream.indirect_vreg.gather [hbm:s4], $0x80, v0, vm1, $0x38;
	[tilespmem:$0x152A0] =	vst v63  }
0x51: {  	s13 =	sshll.u32 s13, $0x4;
	_ =	swait.ge [sflag:s6], $0xA800  }
0x52: {  	s13 =	sadd.s32 s13, s9;
	[sflag:s6] =	ssyncset.done $0x0  }
0x53: {  	s17 =	sadd.s32 $0x0, s13;
	s16 =	simm.s32 $0x80;
	[sflag:s6] =	ssyncadd.s32 $0xFFFF5800  }
.LBB2_5:
0x54: {  	[hbm:s17] =	stream.linear.scatter [tilespmem:s14], [sflag:$0x3], $0x400, $0x38;
	[tilespmem:$0x152A0] =	vst v63  }
0x55: {  	s17 =	smov.u32 s16;
	s14 =	smov.u32 s15;
	p1 =	sne.s32 s16, $0x1480  }
.Ltmp4:
0x56: {  	s16 =	sadd.s32 $0x80, s16;
	(pc) =	sbr.rel @p1 .LBB2_5-.Ltmp4, $2  }
0x57: {  	_ =	sdelay $0x2  }
0x58: {  	s15 =	sadd.s32 $0x400, s15;
	s17 =	sadd.s32 s17, s13  }
.Ltmp5:
0x59: {  	_ = 	snop;
	(pc) =	sbr.rel .LBB2_6-.Ltmp5, $1  }
0x5a: {  	_ =	sdelay $0x3  }
.LBB2_8:
0x5b: {  	_ =	sfence.sel $0x180000  }
0x5c: {  	s1 =	simm.s32 $0x2;
	[bflag:$0x0] =	sbarrier.arrive $0xFFFF  }
0x5d: {  	s30 =	simm.s32 $0x3;
	[sflag:s1] =	ssyncpa.u1 $0x1  }
0x5e: {  	s31 =	simm.s32 $0x1;
	[sflag:s30] =	ssyncpa.u1 $0x1  }
0x5f: {  	[sflag:s31] =	ssyncpa.u1 $0x1  }
0x60: {  	p0 =	sne.s32 s0, $0x0;
	_ =	strace $0x90000047  }
0x61: {  	s0 =	sadd.s32 @!p0 $0x100000, s2;
	[bflag:$0x2] =	sbarrier.arrive $0xFFFF  }
0x62: {  	[sflag:s0] =	ssyncadd.tile.s32 @!p0 $0x1;
	_ =	shalt  }
.Lfunc_end2:
_tile_overlayer_lowered:
.L_overlay_start_2:
0x63: {  	(tag) =	ssettag $0x2  }
0x64: {  	s0 =	rddreg [dreg:$0x0];
	s2 =	stileid.u32  }
0x65: {  	s1 =	rddreg [dreg:$0x1];
	p0 =	sne.s32 s2, $0x0  }
0x66: {  	s3 =	rddreg [dreg:$0x2];
	[bflag:$0x3] =	sbarrier.arrive $0xFFFF;
	s2 =	simm.s32 @!p0 $0x1C01  }
0x67: {  	[timem:s3], [sflag:s2] =	dma.local @!p0 [hbm:s0], s1  }
0x68: {  	s0 =	simm.s32 @!p0 $0x1  }
0x69: {  	_ =	swait.ge @!p0 [sflag:s0], s1  }
0x6a: {  	s1 =	ssub.s32 @!p0 $0x0, s1;
	[sflag:s0] =	ssyncset.done @!p0 $0x0  }
0x6b: {  	[sflag:s0] =	ssyncadd.s32 @!p0 s1  }
0x6c: {  	[bflag:$0x3] =	sbarrier.arrive $0xFFFF  }
0x6d: {  	_ =	shalt  }

</sc_bundles>
